<compile_context>
chip_gen: v7x
topology: tpu7x:2x2x1
jax: 0.10.2.dev20260603
libtpu: 0.0.44.dev20260713+nightly
codegen_flags: <defaults>
</compile_context>

<pallas_src>
import functools

import jax
import jax.numpy as jnp
from jax import lax
from jax.experimental import pallas as pl
from jax.experimental.pallas import tpu as pltpu
from jax.experimental.pallas import tpu_sc as plsc

_NC = 2
_NS = 16
_NW = _NC * _NS
_L = 16


def _sc_embed_sum(xi, table_lin, B, HIST, D):
    b_per_w = B // _NW
    CH0 = 104
    CH1 = HIST - CH0
    nd = D // _L
    WP = table_lin.shape[1]
    mesh = plsc.VectorSubcoreMesh(core_axis_name="c", subcore_axis_name="s")

    @functools.partial(
        pl.kernel,
        out_type=jax.ShapeDtypeStruct((B, D), jnp.float32),
        mesh=mesh,
        scratch_types=[
            pltpu.VMEM((b_per_w * HIST,), jnp.int32),
            pltpu.VMEM((HIST, WP), jnp.float32),
            pltpu.VMEM((HIST, WP), jnp.float32),
            pltpu.VMEM((HIST, WP), jnp.float32),
            pltpu.VMEM((HIST, WP), jnp.float32),
            pltpu.VMEM((b_per_w, D), jnp.float32),
            pltpu.SemaphoreType.DMA,
            pltpu.SemaphoreType.DMA,
            pltpu.SemaphoreType.DMA,
            pltpu.SemaphoreType.DMA,
        ],
        compiler_params=pltpu.CompilerParams(use_tc_tiling_on_sc=False),
    )
    def k(x_hbm, tab_hbm, out_hbm, idx_v, rows_a, rows_b, rows_c, rows_d,
          sums_v, sem_a, sem_b, sem_c, sem_d):
        wid = lax.axis_index("s") * _NC + lax.axis_index("c")
        base = pl.multiple_of(wid * b_per_w, b_per_w)
        pltpu.sync_copy(x_hbm.at[pl.ds(base * HIST, b_per_w * HIST)], idx_v)

        def issue(buf, sem, r):
            rh = pl.multiple_of(r * HIST, 8)
            pltpu.async_copy(
                tab_hbm.at[idx_v.at[pl.ds(rh, CH0)]],
                buf.at[pl.ds(0, CH0)], sem)
            pltpu.async_copy(
                tab_hbm.at[idx_v.at[pl.ds(rh + CH0, CH1)]],
                buf.at[pl.ds(CH0, CH1)], sem)

        def wait(buf, sem):
            pltpu.make_async_copy(tab_hbm.at[pl.ds(0, HIST)], buf, sem).wait()

        def acc(buf, r):
            def body(h, accs):
                return tuple(
                    accs[d] + buf[h, pl.ds(d * _L, _L)] for d in range(nd))

            accs = lax.fori_loop(
                0, HIST, body,
                tuple(jnp.zeros((_L,), jnp.float32) for _ in range(nd)),
                unroll=4)
            for d in range(nd):
                sums_v[r, pl.ds(d * _L, _L)] = accs[d]

        issue(rows_a, sem_a, 0)
        issue(rows_b, sem_b, 1)
        issue(rows_c, sem_c, 2)

        @pl.loop(0, b_per_w - 4, step=4)
        def _(r):
            issue(rows_d, sem_d, r + 3)
            wait(rows_a, sem_a)
            acc(rows_a, r)
            issue(rows_a, sem_a, r + 4)
            wait(rows_b, sem_b)
            acc(rows_b, r + 1)
            issue(rows_b, sem_b, r + 5)
            wait(rows_c, sem_c)
            acc(rows_c, r + 2)
            issue(rows_c, sem_c, r + 6)
            wait(rows_d, sem_d)
            acc(rows_d, r + 3)

        issue(rows_d, sem_d, b_per_w - 1)
        wait(rows_a, sem_a)
        acc(rows_a, b_per_w - 4)
        wait(rows_b, sem_b)
        acc(rows_b, b_per_w - 3)
        wait(rows_c, sem_c)
        acc(rows_c, b_per_w - 2)
        wait(rows_d, sem_d)
        acc(rows_d, b_per_w - 1)

        pltpu.sync_copy(sums_v, out_hbm.at[pl.ds(base, b_per_w)])

    return k(xi, table_lin)


def _mlp(sums, W1, b1, W2, b2, HIST):
    B, D = sums.shape
    H = W1.shape[1]
    O = W2.shape[1]

    def mlp_body(s_ref, w1_ref, b1_ref, w2_ref, b2_ref, o_ref):
        xm = s_ref[...] * (1.0 / HIST)
        x1 = jnp.dot(xm, w1_ref[...], preferred_element_type=jnp.float32)
        a1 = jnp.maximum(x1 + b1_ref[...], 0.0)
        o_ref[...] = (
            jnp.dot(a1, w2_ref[...], preferred_element_type=jnp.float32)
            + b2_ref[...])

    return pl.pallas_call(
        mlp_body,
        out_shape=jax.ShapeDtypeStruct((B, O), jnp.float32),
    )(sums, W1, b1.reshape(1, H), W2, b2.reshape(1, O))


def kernel(x, table, W1, b1, W2, b2):
    B, HIST = x.shape
    _, D = table.shape
    V = table.shape[0]
    xi = (x.astype(jnp.int32) << 1).reshape(-1)
    sel = jnp.concatenate(
        [jnp.eye(D, dtype=jnp.float32),
         jnp.zeros((D, 128 - D), jnp.float32)], axis=1)
    table_pad = jax.lax.dot_general(
        table.T, sel, dimension_numbers=(((0,), (0,)), ((), ())),
        precision=jax.lax.Precision.DEFAULT)
    table_lin = table_pad.reshape(2 * V, D)
    sums = _sc_embed_sum(xi, table_lin, B, HIST, D)
    return _mlp(sums, W1, b1, W2, b2, HIST)

# --- scband reference (transcript-rebuilt; emitter-appended) ---
"""Pipeline reference for scband-basic-net-74328704025079 (READ-ONLY COPY).

The authoritative reference and input builder live on the scoring server;
editing this copy changes nothing except your own understanding.
"""

import jax, jax.numpy as jnp
import numpy as np

VOCAB = 1000000
EMBED_DIM = 64
OUTPUT_DIM = 2
BATCH = 4096
HIST = 200

def setup_inputs(seed: int = 0) -> dict:
    key = jax.random.key(seed)
    k_tab, k_x, k_w1, k_b1, k_w2, k_b2 = jax.random.split(key, 6)
    table = jax.random.normal(k_tab, (VOCAB, EMBED_DIM), dtype=jnp.float32)
    x = jax.random.randint(k_x, (BATCH, HIST), 0, VOCAB, dtype=jnp.int64)
    hidden = EMBED_DIM // 2
    W1 = jax.random.normal(k_w1, (EMBED_DIM, hidden), dtype=jnp.float32) * 0.05
    b1 = jax.random.normal(k_b1, (hidden,), dtype=jnp.float32) * 0.05
    W2 = jax.random.normal(k_w2, (hidden, OUTPUT_DIM), dtype=jnp.float32) * 0.05
    b2 = jax.random.normal(k_b2, (OUTPUT_DIM,), dtype=jnp.float32) * 0.05
    return {"x": x, "table": table, "W1": W1, "b1": b1, "W2": W2, "b2": b2}

def reference(x, table, W1, b1, W2, b2):
    # embedding lookup (gather)
    x_emb = jnp.take(table, x, axis=0)           # [B, L, D]
    x_mean = jnp.mean(x_emb, axis=1)              # [B, D]
    x1 = x_mean @ W1 + b1                         # [B, D//2]
    a1 = jax.nn.relu(x1)
    x2 = a1 @ W2 + b2                             # [B, OUTPUT_DIM]
    return x2

if __name__ == "__main__":
    import jax
    _d = setup_inputs()
    print(jax.jit(kernel)(*tuple(_d.values())))

</pallas_src>

<mosaic_0001>
#map = affine_map<(d0, d1) -> (0)>
#map1 = affine_map<(d0, d1) -> (0, 0)>
module attributes {stable_mosaic.version = 14 : i64} {
  func.func @k(%arg0: i32, %arg1: i32, %arg2: memref<819200xi32, #tpu.memory_space<hbm>>, %arg3: memref<2000000x64xf32, #tpu.memory_space<hbm>>, %arg4: memref<4096x64xf32, #tpu.memory_space<hbm>>, %arg5: memref<25600xi32, #tpu.memory_space<vmem>>, %arg6: memref<200x64xf32, #tpu.memory_space<vmem>>, %arg7: memref<200x64xf32, #tpu.memory_space<vmem>>, %arg8: memref<200x64xf32, #tpu.memory_space<vmem>>, %arg9: memref<200x64xf32, #tpu.memory_space<vmem>>, %arg10: memref<128x64xf32, #tpu.memory_space<vmem>>, %arg11: memref<!tpu.dma_semaphore, #tpu.memory_space<semaphore_mem>>, %arg12: memref<!tpu.dma_semaphore, #tpu.memory_space<semaphore_mem>>, %arg13: memref<!tpu.dma_semaphore, #tpu.memory_space<semaphore_mem>>, %arg14: memref<!tpu.dma_semaphore, #tpu.memory_space<semaphore_mem>>) attributes {dimension_semantics = [#tpu.dimension_semantics<core_parallel>, #tpu.dimension_semantics<subcore_parallel>], iteration_bounds = array<i64: 2, 16>, scalar_prefetch = 0 : i64, scratch_operands = 10 : i64, tpu.core_type = #tpu.core_type<sc_vector_subcore>, window_params = [{transform_indices = #map}, {transform_indices = #map1}, {transform_indices = #map1}]} {
    %mul3A = arith.constant 2 : i32
    %mul3A_0 = arith.muli %arg1, %mul3A : i32
    %add3A = arith.addi %mul3A_0, %arg0 : i32
    %mul3A_1 = arith.constant 128 : i32
    %mul3A_2 = arith.muli %add3A, %mul3A_1 : i32
    %multiple_of3A = tpu.assume_multiple %mul3A_2, 128 : i32
    %mul3A_3 = arith.constant 200 : i32
    %mul3A_4 = arith.muli %multiple_of3A, %mul3A_3 : i32
    "tpu.region"() ({
      %run_scoped3A = tpu.sem_alloc : memref<!tpu.dma_semaphore, #tpu.memory_space<semaphore_mem>>
      %dma_start3A_253 = tpu.memref_slice %arg2[%mul3A_4] : memref<819200xi32, #tpu.memory_space<hbm>> -> memref<25600xi32, #tpu.memory_space<hbm>>
      %dma_start3A_254 = tpu.memref_slice %arg2[%mul3A_4] : memref<819200xi32, #tpu.memory_space<hbm>> -> memref<25600xi32, #tpu.memory_space<hbm>>
      tpu.enqueue_dma source(%dma_start3A_254 : memref<25600xi32, #tpu.memory_space<hbm>>) target(%arg5 : memref<25600xi32, #tpu.memory_space<vmem>>) target_semaphore(%run_scoped3A : memref<!tpu.dma_semaphore, #tpu.memory_space<semaphore_mem>>)
      %dma_wait3A_255 = tpu.memref_slice %arg2[%mul3A_4] : memref<819200xi32, #tpu.memory_space<hbm>> -> memref<25600xi32, #tpu.memory_space<hbm>>
      %dma_wait3A_256 = tpu.memref_slice %arg2[%mul3A_4] : memref<819200xi32, #tpu.memory_space<hbm>> -> memref<25600xi32, #tpu.memory_space<hbm>>
      tpu.wait_dma2 semaphore(%run_scoped3A : memref<!tpu.dma_semaphore, #tpu.memory_space<semaphore_mem>>) src(%dma_wait3A_256 : memref<25600xi32, #tpu.memory_space<hbm>>) dst(%arg5 : memref<25600xi32, #tpu.memory_space<vmem>>)
      tpu.yield
    }) : () -> ()
    %multiple_of3A_5 = arith.constant 0 : i32
    %multiple_of3A_6 = tpu.assume_multiple %multiple_of3A_5, 8 : i32
    %dma_start3A = arith.constant 0 : i32
    %dma_start3A_7 = arith.constant 0 : i32
    %dma_start3A_8 = tpu.memref_slice %arg6[%dma_start3A, %dma_start3A_7] : memref<200x64xf32, #tpu.memory_space<vmem>> -> memref<104x64xf32, #tpu.memory_space<vmem>>
    %dma_start3A_9 = tpu.memref_slice %arg5[%multiple_of3A_6] : memref<25600xi32, #tpu.memory_space<vmem>> -> memref<104xi32, #tpu.memory_space<vmem>>
    %dma_start3A_10 = arith.constant 0 : i32
    %dma_start3A_11 = arith.constant 0 : i32
    %dma_start3A_12 = tpu.memref_slice %arg3[%dma_start3A_10, %dma_start3A_11] : memref<2000000x64xf32, #tpu.memory_space<hbm>> -> memref<2000000x64xf32, #tpu.memory_space<hbm>>
    tpu.enqueue_indirect_dma source(%dma_start3A_12 : memref<2000000x64xf32, #tpu.memory_space<hbm>>) target(%dma_start3A_8 : memref<104x64xf32, #tpu.memory_space<vmem>>) offsets(%dma_start3A_9 : memref<104xi32, #tpu.memory_space<vmem>>) semaphore(%arg11 : memref<!tpu.dma_semaphore, #tpu.memory_space<semaphore_mem>>)
    %add3A_13 = arith.constant 104 : i32
    %add3A_14 = arith.addi %multiple_of3A_6, %add3A_13 : i32
    %dma_start3A_15 = arith.constant 104 : i32
    %dma_start3A_16 = arith.constant 0 : i32
    %dma_start3A_17 = tpu.memref_slice %arg6[%dma_start3A_15, %dma_start3A_16] : memref<200x64xf32, #tpu.memory_space<vmem>> -> memref<96x64xf32, #tpu.memory_space<vmem>>
    %dma_start3A_18 = tpu.memref_slice %arg5[%add3A_14] : memref<25600xi32, #tpu.memory_space<vmem>> -> memref<96xi32, #tpu.memory_space<vmem>>
    %dma_start3A_19 = arith.constant 0 : i32
    %dma_start3A_20 = arith.constant 0 : i32
    %dma_start3A_21 = tpu.memref_slice %arg3[%dma_start3A_19, %dma_start3A_20] : memref<2000000x64xf32, #tpu.memory_space<hbm>> -> memref<2000000x64xf32, #tpu.memory_space<hbm>>
    tpu.enqueue_indirect_dma source(%dma_start3A_21 : memref<2000000x64xf32, #tpu.memory_space<hbm>>) target(%dma_start3A_17 : memref<96x64xf32, #tpu.memory_space<vmem>>) offsets(%dma_start3A_18 : memref<96xi32, #tpu.memory_space<vmem>>) semaphore(%arg11 : memref<!tpu.dma_semaphore, #tpu.memory_space<semaphore_mem>>)
    %multiple_of3A_22 = arith.constant 200 : i32
    %multiple_of3A_23 = tpu.assume_multiple %multiple_of3A_22, 8 : i32
    %dma_start3A_24 = arith.constant 0 : i32
    %dma_start3A_25 = arith.constant 0 : i32
    %dma_start3A_26 = tpu.memref_slice %arg7[%dma_start3A_24, %dma_start3A_25] : memref<200x64xf32, #tpu.memory_space<vmem>> -> memref<104x64xf32, #tpu.memory_space<vmem>>
    %dma_start3A_27 = tpu.memref_slice %arg5[%multiple_of3A_23] : memref<25600xi32, #tpu.memory_space<vmem>> -> memref<104xi32, #tpu.memory_space<vmem>>
    %dma_start3A_28 = arith.constant 0 : i32
    %dma_start3A_29 = arith.constant 0 : i32
    %dma_start3A_30 = tpu.memref_slice %arg3[%dma_start3A_28, %dma_start3A_29] : memref<2000000x64xf32, #tpu.memory_space<hbm>> -> memref<2000000x64xf32, #tpu.memory_space<hbm>>
    tpu.enqueue_indirect_dma source(%dma_start3A_30 : memref<2000000x64xf32, #tpu.memory_space<hbm>>) target(%dma_start3A_26 : memref<104x64xf32, #tpu.memory_space<vmem>>) offsets(%dma_start3A_27 : memref<104xi32, #tpu.memory_space<vmem>>) semaphore(%arg12 : memref<!tpu.dma_semaphore, #tpu.memory_space<semaphore_mem>>)
    %add3A_31 = arith.constant 104 : i32
    %add3A_32 = arith.addi %multiple_of3A_23, %add3A_31 : i32
    %dma_start3A_33 = arith.constant 104 : i32
    %dma_start3A_34 = arith.constant 0 : i32
    %dma_start3A_35 = tpu.memref_slice %arg7[%dma_start3A_33, %dma_start3A_34] : memref<200x64xf32, #tpu.memory_space<vmem>> -> memref<96x64xf32, #tpu.memory_space<vmem>>
    %dma_start3A_36 = tpu.memref_slice %arg5[%add3A_32] : memref<25600xi32, #tpu.memory_space<vmem>> -> memref<96xi32, #tpu.memory_space<vmem>>
    %dma_start3A_37 = arith.constant 0 : i32
    %dma_start3A_38 = arith.constant 0 : i32
    %dma_start3A_39 = tpu.memref_slice %arg3[%dma_start3A_37, %dma_start3A_38] : memref<2000000x64xf32, #tpu.memory_space<hbm>> -> memref<2000000x64xf32, #tpu.memory_space<hbm>>
    tpu.enqueue_indirect_dma source(%dma_start3A_39 : memref<2000000x64xf32, #tpu.memory_space<hbm>>) target(%dma_start3A_35 : memref<96x64xf32, #tpu.memory_space<vmem>>) offsets(%dma_start3A_36 : memref<96xi32, #tpu.memory_space<vmem>>) semaphore(%arg12 : memref<!tpu.dma_semaphore, #tpu.memory_space<semaphore_mem>>)
    %multiple_of3A_40 = arith.constant 400 : i32
    %multiple_of3A_41 = tpu.assume_multiple %multiple_of3A_40, 8 : i32
    %dma_start3A_42 = arith.constant 0 : i32
    %dma_start3A_43 = arith.constant 0 : i32
    %dma_start3A_44 = tpu.memref_slice %arg8[%dma_start3A_42, %dma_start3A_43] : memref<200x64xf32, #tpu.memory_space<vmem>> -> memref<104x64xf32, #tpu.memory_space<vmem>>
    %dma_start3A_45 = tpu.memref_slice %arg5[%multiple_of3A_41] : memref<25600xi32, #tpu.memory_space<vmem>> -> memref<104xi32, #tpu.memory_space<vmem>>
    %dma_start3A_46 = arith.constant 0 : i32
    %dma_start3A_47 = arith.constant 0 : i32
    %dma_start3A_48 = tpu.memref_slice %arg3[%dma_start3A_46, %dma_start3A_47] : memref<2000000x64xf32, #tpu.memory_space<hbm>> -> memref<2000000x64xf32, #tpu.memory_space<hbm>>
    tpu.enqueue_indirect_dma source(%dma_start3A_48 : memref<2000000x64xf32, #tpu.memory_space<hbm>>) target(%dma_start3A_44 : memref<104x64xf32, #tpu.memory_space<vmem>>) offsets(%dma_start3A_45 : memref<104xi32, #tpu.memory_space<vmem>>) semaphore(%arg13 : memref<!tpu.dma_semaphore, #tpu.memory_space<semaphore_mem>>)
    %add3A_49 = arith.constant 104 : i32
    %add3A_50 = arith.addi %multiple_of3A_41, %add3A_49 : i32
    %dma_start3A_51 = arith.constant 104 : i32
    %dma_start3A_52 = arith.constant 0 : i32
    %dma_start3A_53 = tpu.memref_slice %arg8[%dma_start3A_51, %dma_start3A_52] : memref<200x64xf32, #tpu.memory_space<vmem>> -> memref<96x64xf32, #tpu.memory_space<vmem>>
    %dma_start3A_54 = tpu.memref_slice %arg5[%add3A_50] : memref<25600xi32, #tpu.memory_space<vmem>> -> memref<96xi32, #tpu.memory_space<vmem>>
    %dma_start3A_55 = arith.constant 0 : i32
    %dma_start3A_56 = arith.constant 0 : i32
    %dma_start3A_57 = tpu.memref_slice %arg3[%dma_start3A_55, %dma_start3A_56] : memref<2000000x64xf32, #tpu.memory_space<hbm>> -> memref<2000000x64xf32, #tpu.memory_space<hbm>>
    tpu.enqueue_indirect_dma source(%dma_start3A_57 : memref<2000000x64xf32, #tpu.memory_space<hbm>>) target(%dma_start3A_53 : memref<96x64xf32, #tpu.memory_space<vmem>>) offsets(%dma_start3A_54 : memref<96xi32, #tpu.memory_space<vmem>>) semaphore(%arg13 : memref<!tpu.dma_semaphore, #tpu.memory_space<semaphore_mem>>)
    %scan3A = arith.constant 0 : i32
    %scan3A_58 = arith.constant 31 : i32
    %scan3A_59 = arith.addi %scan3A, %scan3A_58 : i32
    %scan3A_60 = arith.constant 1 : i32
    scf.for %scan3A_253 = %scan3A to %scan3A_59 step %scan3A_60  : i32 {
      %mul3A_254 = arith.constant 4 : i32
      %mul3A_255 = arith.muli %scan3A_253, %mul3A_254 : i32
      %add3A_256 = arith.constant 0 : i32
      %add3A_257 = arith.addi %add3A_256, %mul3A_255 : i32
      %add3A_258 = arith.constant 3 : i32
      %add3A_259 = arith.addi %add3A_257, %add3A_258 : i32
      %mul3A_260 = arith.constant 200 : i32
      %mul3A_261 = arith.muli %add3A_259, %mul3A_260 : i32
      %multiple_of3A_262 = tpu.assume_multiple %mul3A_261, 8 : i32
      %dma_start3A_263 = arith.constant 0 : i32
      %dma_start3A_264 = arith.constant 0 : i32
      %dma_start3A_265 = tpu.memref_slice %arg9[%dma_start3A_263, %dma_start3A_264] : memref<200x64xf32, #tpu.memory_space<vmem>> -> memref<104x64xf32, #tpu.memory_space<vmem>>
      %dma_start3A_266 = tpu.memref_slice %arg5[%multiple_of3A_262] : memref<25600xi32, #tpu.memory_space<vmem>> -> memref<104xi32, #tpu.memory_space<vmem>>
      %dma_start3A_267 = arith.constant 0 : i32
      %dma_start3A_268 = arith.constant 0 : i32
      %dma_start3A_269 = tpu.memref_slice %arg3[%dma_start3A_267, %dma_start3A_268] : memref<2000000x64xf32, #tpu.memory_space<hbm>> -> memref<2000000x64xf32, #tpu.memory_space<hbm>>
      tpu.enqueue_indirect_dma source(%dma_start3A_269 : memref<2000000x64xf32, #tpu.memory_space<hbm>>) target(%dma_start3A_265 : memref<104x64xf32, #tpu.memory_space<vmem>>) offsets(%dma_start3A_266 : memref<104xi32, #tpu.memory_space<vmem>>) semaphore(%arg14 : memref<!tpu.dma_semaphore, #tpu.memory_space<semaphore_mem>>)
      %add3A_270 = arith.constant 104 : i32
      %add3A_271 = arith.addi %multiple_of3A_262, %add3A_270 : i32
      %dma_start3A_272 = arith.constant 104 : i32
      %dma_start3A_273 = arith.constant 0 : i32
      %dma_start3A_274 = tpu.memref_slice %arg9[%dma_start3A_272, %dma_start3A_273] : memref<200x64xf32, #tpu.memory_space<vmem>> -> memref<96x64xf32, #tpu.memory_space<vmem>>
      %dma_start3A_275 = tpu.memref_slice %arg5[%add3A_271] : memref<25600xi32, #tpu.memory_space<vmem>> -> memref<96xi32, #tpu.memory_space<vmem>>
      %dma_start3A_276 = arith.constant 0 : i32
      %dma_start3A_277 = arith.constant 0 : i32
      %dma_start3A_278 = tpu.memref_slice %arg3[%dma_start3A_276, %dma_start3A_277] : memref<2000000x64xf32, #tpu.memory_space<hbm>> -> memref<2000000x64xf32, #tpu.memory_space<hbm>>
      tpu.enqueue_indirect_dma source(%dma_start3A_278 : memref<2000000x64xf32, #tpu.memory_space<hbm>>) target(%dma_start3A_274 : memref<96x64xf32, #tpu.memory_space<vmem>>) offsets(%dma_start3A_275 : memref<96xi32, #tpu.memory_space<vmem>>) semaphore(%arg14 : memref<!tpu.dma_semaphore, #tpu.memory_space<semaphore_mem>>)
      %dma_wait3A_279 = arith.constant 0 : i32
      %dma_wait3A_280 = arith.constant 0 : i32
      %dma_wait3A_281 = tpu.memref_slice %arg3[%dma_wait3A_279, %dma_wait3A_280] : memref<2000000x64xf32, #tpu.memory_space<hbm>> -> memref<200x64xf32, #tpu.memory_space<hbm>>
      %dma_wait3A_282 = arith.constant 0 : i32
      %dma_wait3A_283 = arith.constant 0 : i32
      %dma_wait3A_284 = tpu.memref_slice %arg3[%dma_wait3A_282, %dma_wait3A_283] : memref<2000000x64xf32, #tpu.memory_space<hbm>> -> memref<200x64xf32, #tpu.memory_space<hbm>>
      tpu.wait_dma2 semaphore(%arg11 : memref<!tpu.dma_semaphore, #tpu.memory_space<semaphore_mem>>) src(%dma_wait3A_284 : memref<200x64xf32, #tpu.memory_space<hbm>>) dst(%arg6 : memref<200x64xf32, #tpu.memory_space<vmem>>)
      %broadcast_in_dim3A_285 = arith.constant 0.000000e+00 : f32
      %broadcast_in_dim3A_286 = vector.broadcast %broadcast_in_dim3A_285 : f32 to vector<16xf32>
      %broadcast_in_dim3A_287 = arith.constant 0.000000e+00 : f32
      %broadcast_in_dim3A_288 = vector.broadcast %broadcast_in_dim3A_287 : f32 to vector<16xf32>
      %broadcast_in_dim3A_289 = arith.constant 0.000000e+00 : f32
      %broadcast_in_dim3A_290 = vector.broadcast %broadcast_in_dim3A_289 : f32 to vector<16xf32>
      %broadcast_in_dim3A_291 = arith.constant 0.000000e+00 : f32
      %broadcast_in_dim3A_292 = vector.broadcast %broadcast_in_dim3A_291 : f32 to vector<16xf32>
      %scan3A_293 = arith.constant 0 : i32
      %scan3A_294 = arith.constant 200 : i32
      %scan3A_295 = arith.addi %scan3A_293, %scan3A_294 : i32
      %scan3A_296 = arith.constant 4 : i32
      %scan3A_297:4 = scf.for %scan3A_508 = %scan3A_293 to %scan3A_295 step %scan3A_296 iter_args(%scan3A_509 = %broadcast_in_dim3A_286, %scan3A_510 = %broadcast_in_dim3A_288, %scan3A_511 = %broadcast_in_dim3A_290, %scan3A_512 = %broadcast_in_dim3A_292) -> (vector<16xf32>, vector<16xf32>, vector<16xf32>, vector<16xf32>)  : i32 {
        %get3A = arith.index_cast %scan3A_508 : i32 to index
        %get3A_513 = arith.constant 0 : index
        %get3A_514 = tpu.vector_load %arg6[%get3A, %get3A_513] {strides = array<i32>} : memref<200x64xf32, #tpu.memory_space<vmem>>, vector<1x16xf32>,
        %get3A_515 = vector.shape_cast %get3A_514 : vector<1x16xf32> to vector<16xf32>
        %add3A_516 = arith.addf %scan3A_509, %get3A_515 : vector<16xf32>
        %get3A_517 = arith.index_cast %scan3A_508 : i32 to index
        %get3A_518 = arith.constant 16 : index
        %get3A_519 = tpu.vector_load %arg6[%get3A_517, %get3A_518] {strides = array<i32>} : memref<200x64xf32, #tpu.memory_space<vmem>>, vector<1x16xf32>,
        %get3A_520 = vector.shape_cast %get3A_519 : vector<1x16xf32> to vector<16xf32>
        %add3A_521 = arith.addf %scan3A_510, %get3A_520 : vector<16xf32>
        %get3A_522 = arith.index_cast %scan3A_508 : i32 to index
        %get3A_523 = arith.constant 32 : index
        %get3A_524 = tpu.vector_load %arg6[%get3A_522, %get3A_523] {strides = array<i32>} : memref<200x64xf32, #tpu.memory_space<vmem>>, vector<1x16xf32>,
        %get3A_525 = vector.shape_cast %get3A_524 : vector<1x16xf32> to vector<16xf32>
        %add3A_526 = arith.addf %scan3A_511, %get3A_525 : vector<16xf32>
        %get3A_527 = arith.index_cast %scan3A_508 : i32 to index
        %get3A_528 = arith.constant 48 : index
        %get3A_529 = tpu.vector_load %arg6[%get3A_527, %get3A_528] {strides = array<i32>} : memref<200x64xf32, #tpu.memory_space<vmem>>, vector<1x16xf32>,
        %get3A_530 = vector.shape_cast %get3A_529 : vector<1x16xf32> to vector<16xf32>
        %add3A_531 = arith.addf %scan3A_512, %get3A_530 : vector<16xf32>
        %scan3A_532 = arith.constant 1 : i32
        %scan3A_533 = arith.addi %scan3A_508, %scan3A_532 : i32
        %get3A_534 = arith.index_cast %scan3A_533 : i32 to index
        %get3A_535 = arith.constant 0 : index
        %get3A_536 = tpu.vector_load %arg6[%get3A_534, %get3A_535] {strides = array<i32>} : memref<200x64xf32, #tpu.memory_space<vmem>>, vector<1x16xf32>,
        %get3A_537 = vector.shape_cast %get3A_536 : vector<1x16xf32> to vector<16xf32>
        %add3A_538 = arith.addf %add3A_516, %get3A_537 : vector<16xf32>
        %get3A_539 = arith.index_cast %scan3A_533 : i32 to index
        %get3A_540 = arith.constant 16 : index
        %get3A_541 = tpu.vector_load %arg6[%get3A_539, %get3A_540] {strides = array<i32>} : memref<200x64xf32, #tpu.memory_space<vmem>>, vector<1x16xf32>,
        %get3A_542 = vector.shape_cast %get3A_541 : vector<1x16xf32> to vector<16xf32>
        %add3A_543 = arith.addf %add3A_521, %get3A_542 : vector<16xf32>
        %get3A_544 = arith.index_cast %scan3A_533 : i32 to index
        %get3A_545 = arith.constant 32 : index
        %get3A_546 = tpu.vector_load %arg6[%get3A_544, %get3A_545] {strides = array<i32>} : memref<200x64xf32, #tpu.memory_space<vmem>>, vector<1x16xf32>,
        %get3A_547 = vector.shape_cast %get3A_546 : vector<1x16xf32> to vector<16xf32>
        %add3A_548 = arith.addf %add3A_526, %get3A_547 : vector<16xf32>
        %get3A_549 = arith.index_cast %scan3A_533 : i32 to index
        %get3A_550 = arith.constant 48 : index
        %get3A_551 = tpu.vector_load %arg6[%get3A_549, %get3A_550] {strides = array<i32>} : memref<200x64xf32, #tpu.memory_space<vmem>>, vector<1x16xf32>,
        %get3A_552 = vector.shape_cast %get3A_551 : vector<1x16xf32> to vector<16xf32>
        %add3A_553 = arith.addf %add3A_531, %get3A_552 : vector<16xf32>
        %scan3A_554 = arith.constant 2 : i32
        %scan3A_555 = arith.addi %scan3A_508, %scan3A_554 : i32
        %get3A_556 = arith.index_cast %scan3A_555 : i32 to index
        %get3A_557 = arith.constant 0 : index
        %get3A_558 = tpu.vector_load %arg6[%get3A_556, %get3A_557] {strides = array<i32>} : memref<200x64xf32, #tpu.memory_space<vmem>>, vector<1x16xf32>,
        %get3A_559 = vector.shape_cast %get3A_558 : vector<1x16xf32> to vector<16xf32>
        %add3A_560 = arith.addf %add3A_538, %get3A_559 : vector<16xf32>
        %get3A_561 = arith.index_cast %scan3A_555 : i32 to index
        %get3A_562 = arith.constant 16 : index
        %get3A_563 = tpu.vector_load %arg6[%get3A_561, %get3A_562] {strides = array<i32>} : memref<200x64xf32, #tpu.memory_space<vmem>>, vector<1x16xf32>,
        %get3A_564 = vector.shape_cast %get3A_563 : vector<1x16xf32> to vector<16xf32>
        %add3A_565 = arith.addf %add3A_543, %get3A_564 : vector<16xf32>
        %get3A_566 = arith.index_cast %scan3A_555 : i32 to index
        %get3A_567 = arith.constant 32 : index
        %get3A_568 = tpu.vector_load %arg6[%get3A_566, %get3A_567] {strides = array<i32>} : memref<200x64xf32, #tpu.memory_space<vmem>>, vector<1x16xf32>,
        %get3A_569 = vector.shape_cast %get3A_568 : vector<1x16xf32> to vector<16xf32>
        %add3A_570 = arith.addf %add3A_548, %get3A_569 : vector<16xf32>
        %get3A_571 = arith.index_cast %scan3A_555 : i32 to index
        %get3A_572 = arith.constant 48 : index
        %get3A_573 = tpu.vector_load %arg6[%get3A_571, %get3A_572] {strides = array<i32>} : memref<200x64xf32, #tpu.memory_space<vmem>>, vector<1x16xf32>,
        %get3A_574 = vector.shape_cast %get3A_573 : vector<1x16xf32> to vector<16xf32>
        %add3A_575 = arith.addf %add3A_553, %get3A_574 : vector<16xf32>
        %scan3A_576 = arith.constant 3 : i32
        %scan3A_577 = arith.addi %scan3A_508, %scan3A_576 : i32
        %get3A_578 = arith.index_cast %scan3A_577 : i32 to index
        %get3A_579 = arith.constant 0 : index
        %get3A_580 = tpu.vector_load %arg6[%get3A_578, %get3A_579] {strides = array<i32>} : memref<200x64xf32, #tpu.memory_space<vmem>>, vector<1x16xf32>,
        %get3A_581 = vector.shape_cast %get3A_580 : vector<1x16xf32> to vector<16xf32>
        %add3A_582 = arith.addf %add3A_560, %get3A_581 : vector<16xf32>
        %get3A_583 = arith.index_cast %scan3A_577 : i32 to index
        %get3A_584 = arith.constant 16 : index
        %get3A_585 = tpu.vector_load %arg6[%get3A_583, %get3A_584] {strides = array<i32>} : memref<200x64xf32, #tpu.memory_space<vmem>>, vector<1x16xf32>,
        %get3A_586 = vector.shape_cast %get3A_585 : vector<1x16xf32> to vector<16xf32>
        %add3A_587 = arith.addf %add3A_565, %get3A_586 : vector<16xf32>
        %get3A_588 = arith.index_cast %scan3A_577 : i32 to index
        %get3A_589 = arith.constant 32 : index
        %get3A_590 = tpu.vector_load %arg6[%get3A_588, %get3A_589] {strides = array<i32>} : memref<200x64xf32, #tpu.memory_space<vmem>>, vector<1x16xf32>,
        %get3A_591 = vector.shape_cast %get3A_590 : vector<1x16xf32> to vector<16xf32>
        %add3A_592 = arith.addf %add3A_570, %get3A_591 : vector<16xf32>
        %get3A_593 = arith.index_cast %scan3A_577 : i32 to index
        %get3A_594 = arith.constant 48 : index
        %get3A_595 = tpu.vector_load %arg6[%get3A_593, %get3A_594] {strides = array<i32>} : memref<200x64xf32, #tpu.memory_space<vmem>>, vector<1x16xf32>,
        %get3A_596 = vector.shape_cast %get3A_595 : vector<1x16xf32> to vector<16xf32>
        %add3A_597 = arith.addf %add3A_575, %get3A_596 : vector<16xf32>
        scf.yield %add3A_582, %add3A_587, %add3A_592, %add3A_597 : vector<16xf32>, vector<16xf32>, vector<16xf32>, vector<16xf32>
      }
      %scan3A_298 = arith.constant 200 : i32
      %swap3A_299 = arith.index_cast %add3A_257 : i32 to index
      %swap3A_300 = arith.constant 0 : index
      %swap3A_301 = tpu.vector_load %arg10[%swap3A_299, %swap3A_300] {strides = array<i32>} : memref<128x64xf32, #tpu.memory_space<vmem>>, vector<1x16xf32>,
      %swap3A_302 = vector.shape_cast %swap3A_301 : vector<1x16xf32> to vector<16xf32>
      %swap3A_303 = vector.shape_cast %scan3A_297#0 : vector<16xf32> to vector<1x16xf32>
      tpu.vector_store %arg10[%swap3A_299, %swap3A_300], %swap3A_303 {strides = array<i32>} : memref<128x64xf32, #tpu.memory_space<vmem>>, vector<1x16xf32>,
      %swap3A_304 = arith.index_cast %add3A_257 : i32 to index
      %swap3A_305 = arith.constant 16 : index
      %swap3A_306 = tpu.vector_load %arg10[%swap3A_304, %swap3A_305] {strides = array<i32>} : memref<128x64xf32, #tpu.memory_space<vmem>>, vector<1x16xf32>,
      %swap3A_307 = vector.shape_cast %swap3A_306 : vector<1x16xf32> to vector<16xf32>
      %swap3A_308 = vector.shape_cast %scan3A_297#1 : vector<16xf32> to vector<1x16xf32>
      tpu.vector_store %arg10[%swap3A_304, %swap3A_305], %swap3A_308 {strides = array<i32>} : memref<128x64xf32, #tpu.memory_space<vmem>>, vector<1x16xf32>,
      %swap3A_309 = arith.index_cast %add3A_257 : i32 to index
      %swap3A_310 = arith.constant 32 : index
      %swap3A_311 = tpu.vector_load %arg10[%swap3A_309, %swap3A_310] {strides = array<i32>} : memref<128x64xf32, #tpu.memory_space<vmem>>, vector<1x16xf32>,
      %swap3A_312 = vector.shape_cast %swap3A_311 : vector<1x16xf32> to vector<16xf32>
      %swap3A_313 = vector.shape_cast %scan3A_297#2 : vector<16xf32> to vector<1x16xf32>
      tpu.vector_store %arg10[%swap3A_309, %swap3A_310], %swap3A_313 {strides = array<i32>} : memref<128x64xf32, #tpu.memory_space<vmem>>, vector<1x16xf32>,
      %swap3A_314 = arith.index_cast %add3A_257 : i32 to index
      %swap3A_315 = arith.constant 48 : index
      %swap3A_316 = tpu.vector_load %arg10[%swap3A_314, %swap3A_315] {strides = array<i32>} : memref<128x64xf32, #tpu.memory_space<vmem>>, vector<1x16xf32>,
      %swap3A_317 = vector.shape_cast %swap3A_316 : vector<1x16xf32> to vector<16xf32>
      %swap3A_318 = vector.shape_cast %scan3A_297#3 : vector<16xf32> to vector<1x16xf32>
      tpu.vector_store %arg10[%swap3A_314, %swap3A_315], %swap3A_318 {strides = array<i32>} : memref<128x64xf32, #tpu.memory_space<vmem>>, vector<1x16xf32>,
      %add3A_319 = arith.constant 4 : i32
      %add3A_320 = arith.addi %add3A_257, %add3A_319 : i32
      %mul3A_321 = arith.constant 200 : i32
      %mul3A_322 = arith.muli %add3A_320, %mul3A_321 : i32
      %multiple_of3A_323 = tpu.assume_multiple %mul3A_322, 8 : i32
      %dma_start3A_324 = arith.constant 0 : i32
      %dma_start3A_325 = arith.constant 0 : i32
      %dma_start3A_326 = tpu.memref_slice %arg6[%dma_start3A_324, %dma_start3A_325] : memref<200x64xf32, #tpu.memory_space<vmem>> -> memref<104x64xf32, #tpu.memory_space<vmem>>
      %dma_start3A_327 = tpu.memref_slice %arg5[%multiple_of3A_323] : memref<25600xi32, #tpu.memory_space<vmem>> -> memref<104xi32, #tpu.memory_space<vmem>>
      %dma_start3A_328 = arith.constant 0 : i32
      %dma_start3A_329 = arith.constant 0 : i32
      %dma_start3A_330 = tpu.memref_slice %arg3[%dma_start3A_328, %dma_start3A_329] : memref<2000000x64xf32, #tpu.memory_space<hbm>> -> memref<2000000x64xf32, #tpu.memory_space<hbm>>
      tpu.enqueue_indirect_dma source(%dma_start3A_330 : memref<2000000x64xf32, #tpu.memory_space<hbm>>) target(%dma_start3A_326 : memref<104x64xf32, #tpu.memory_space<vmem>>) offsets(%dma_start3A_327 : memref<104xi32, #tpu.memory_space<vmem>>) semaphore(%arg11 : memref<!tpu.dma_semaphore, #tpu.memory_space<semaphore_mem>>)
      %add3A_331 = arith.constant 104 : i32
      %add3A_332 = arith.addi %multiple_of3A_323, %add3A_331 : i32
      %dma_start3A_333 = arith.constant 104 : i32
      %dma_start3A_334 = arith.constant 0 : i32
      %dma_start3A_335 = tpu.memref_slice %arg6[%dma_start3A_333, %dma_start3A_334] : memref<200x64xf32, #tpu.memory_space<vmem>> -> memref<96x64xf32, #tpu.memory_space<vmem>>
      %dma_start3A_336 = tpu.memref_slice %arg5[%add3A_332] : memref<25600xi32, #tpu.memory_space<vmem>> -> memref<96xi32, #tpu.memory_space<vmem>>
      %dma_start3A_337 = arith.constant 0 : i32
      %dma_start3A_338 = arith.constant 0 : i32
      %dma_start3A_339 = tpu.memref_slice %arg3[%dma_start3A_337, %dma_start3A_338] : memref<2000000x64xf32, #tpu.memory_space<hbm>> -> memref<2000000x64xf32, #tpu.memory_space<hbm>>
      tpu.enqueue_indirect_dma source(%dma_start3A_339 : memref<2000000x64xf32, #tpu.memory_space<hbm>>) target(%dma_start3A_335 : memref<96x64xf32, #tpu.memory_space<vmem>>) offsets(%dma_start3A_336 : memref<96xi32, #tpu.memory_space<vmem>>) semaphore(%arg11 : memref<!tpu.dma_semaphore, #tpu.memory_space<semaphore_mem>>)
      %dma_wait3A_340 = arith.constant 0 : i32
      %dma_wait3A_341 = arith.constant 0 : i32
      %dma_wait3A_342 = tpu.memref_slice %arg3[%dma_wait3A_340, %dma_wait3A_341] : memref<2000000x64xf32, #tpu.memory_space<hbm>> -> memref<200x64xf32, #tpu.memory_space<hbm>>
      %dma_wait3A_343 = arith.constant 0 : i32
      %dma_wait3A_344 = arith.constant 0 : i32
      %dma_wait3A_345 = tpu.memref_slice %arg3[%dma_wait3A_343, %dma_wait3A_344] : memref<2000000x64xf32, #tpu.memory_space<hbm>> -> memref<200x64xf32, #tpu.memory_space<hbm>>
      tpu.wait_dma2 semaphore(%arg12 : memref<!tpu.dma_semaphore, #tpu.memory_space<semaphore_mem>>) src(%dma_wait3A_345 : memref<200x64xf32, #tpu.memory_space<hbm>>) dst(%arg7 : memref<200x64xf32, #tpu.memory_space<vmem>>)
      %add3A_346 = arith.constant 1 : i32
      %add3A_347 = arith.addi %add3A_257, %add3A_346 : i32
      %broadcast_in_dim3A_348 = arith.constant 0.000000e+00 : f32
      %broadcast_in_dim3A_349 = vector.broadcast %broadcast_in_dim3A_348 : f32 to vector<16xf32>
      %broadcast_in_dim3A_350 = arith.constant 0.000000e+00 : f32
      %broadcast_in_dim3A_351 = vector.broadcast %broadcast_in_dim3A_350 : f32 to vector<16xf32>
      %broadcast_in_dim3A_352 = arith.constant 0.000000e+00 : f32
      %broadcast_in_dim3A_353 = vector.broadcast %broadcast_in_dim3A_352 : f32 to vector<16xf32>
      %broadcast_in_dim3A_354 = arith.constant 0.000000e+00 : f32
      %broadcast_in_dim3A_355 = vector.broadcast %broadcast_in_dim3A_354 : f32 to vector<16xf32>
      %scan3A_356 = arith.constant 0 : i32
      %scan3A_357 = arith.constant 200 : i32
      %scan3A_358 = arith.addi %scan3A_356, %scan3A_357 : i32
      %scan3A_359 = arith.constant 4 : i32
      %scan3A_360:4 = scf.for %scan3A_508 = %scan3A_356 to %scan3A_358 step %scan3A_359 iter_args(%scan3A_509 = %broadcast_in_dim3A_349, %scan3A_510 = %broadcast_in_dim3A_351, %scan3A_511 = %broadcast_in_dim3A_353, %scan3A_512 = %broadcast_in_dim3A_355) -> (vector<16xf32>, vector<16xf32>, vector<16xf32>, vector<16xf32>)  : i32 {
        %get3A = arith.index_cast %scan3A_508 : i32 to index
        %get3A_513 = arith.constant 0 : index
        %get3A_514 = tpu.vector_load %arg7[%get3A, %get3A_513] {strides = array<i32>} : memref<200x64xf32, #tpu.memory_space<vmem>>, vector<1x16xf32>,
        %get3A_515 = vector.shape_cast %get3A_514 : vector<1x16xf32> to vector<16xf32>
        %add3A_516 = arith.addf %scan3A_509, %get3A_515 : vector<16xf32>
        %get3A_517 = arith.index_cast %scan3A_508 : i32 to index
        %get3A_518 = arith.constant 16 : index
        %get3A_519 = tpu.vector_load %arg7[%get3A_517, %get3A_518] {strides = array<i32>} : memref<200x64xf32, #tpu.memory_space<vmem>>, vector<1x16xf32>,
        %get3A_520 = vector.shape_cast %get3A_519 : vector<1x16xf32> to vector<16xf32>
        %add3A_521 = arith.addf %scan3A_510, %get3A_520 : vector<16xf32>
        %get3A_522 = arith.index_cast %scan3A_508 : i32 to index
        %get3A_523 = arith.constant 32 : index
        %get3A_524 = tpu.vector_load %arg7[%get3A_522, %get3A_523] {strides = array<i32>} : memref<200x64xf32, #tpu.memory_space<vmem>>, vector<1x16xf32>,
        %get3A_525 = vector.shape_cast %get3A_524 : vector<1x16xf32> to vector<16xf32>
        %add3A_526 = arith.addf %scan3A_511, %get3A_525 : vector<16xf32>
        %get3A_527 = arith.index_cast %scan3A_508 : i32 to index
        %get3A_528 = arith.constant 48 : index
        %get3A_529 = tpu.vector_load %arg7[%get3A_527, %get3A_528] {strides = array<i32>} : memref<200x64xf32, #tpu.memory_space<vmem>>, vector<1x16xf32>,
        %get3A_530 = vector.shape_cast %get3A_529 : vector<1x16xf32> to vector<16xf32>
        %add3A_531 = arith.addf %scan3A_512, %get3A_530 : vector<16xf32>
        %scan3A_532 = arith.constant 1 : i32
        %scan3A_533 = arith.addi %scan3A_508, %scan3A_532 : i32
        %get3A_534 = arith.index_cast %scan3A_533 : i32 to index
        %get3A_535 = arith.constant 0 : index
        %get3A_536 = tpu.vector_load %arg7[%get3A_534, %get3A_535] {strides = array<i32>} : memref<200x64xf32, #tpu.memory_space<vmem>>, vector<1x16xf32>,
        %get3A_537 = vector.shape_cast %get3A_536 : vector<1x16xf32> to vector<16xf32>
        %add3A_538 = arith.addf %add3A_516, %get3A_537 : vector<16xf32>
        %get3A_539 = arith.index_cast %scan3A_533 : i32 to index
        %get3A_540 = arith.constant 16 : index
        %get3A_541 = tpu.vector_load %arg7[%get3A_539, %get3A_540] {strides = array<i32>} : memref<200x64xf32, #tpu.memory_space<vmem>>, vector<1x16xf32>,
        %get3A_542 = vector.shape_cast %get3A_541 : vector<1x16xf32> to vector<16xf32>
        %add3A_543 = arith.addf %add3A_521, %get3A_542 : vector<16xf32>
        %get3A_544 = arith.index_cast %scan3A_533 : i32 to index
        %get3A_545 = arith.constant 32 : index
        %get3A_546 = tpu.vector_load %arg7[%get3A_544, %get3A_545] {strides = array<i32>} : memref<200x64xf32, #tpu.memory_space<vmem>>, vector<1x16xf32>,
        %get3A_547 = vector.shape_cast %get3A_546 : vector<1x16xf32> to vector<16xf32>
        %add3A_548 = arith.addf %add3A_526, %get3A_547 : vector<16xf32>
        %get3A_549 = arith.index_cast %scan3A_533 : i32 to index
        %get3A_550 = arith.constant 48 : index
        %get3A_551 = tpu.vector_load %arg7[%get3A_549, %get3A_550] {strides = array<i32>} : memref<200x64xf32, #tpu.memory_space<vmem>>, vector<1x16xf32>,
        %get3A_552 = vector.shape_cast %get3A_551 : vector<1x16xf32> to vector<16xf32>
        %add3A_553 = arith.addf %add3A_531, %get3A_552 : vector<16xf32>
        %scan3A_554 = arith.constant 2 : i32
        %scan3A_555 = arith.addi %scan3A_508, %scan3A_554 : i32
        %get3A_556 = arith.index_cast %scan3A_555 : i32 to index
        %get3A_557 = arith.constant 0 : index
        %get3A_558 = tpu.vector_load %arg7[%get3A_556, %get3A_557] {strides = array<i32>} : memref<200x64xf32, #tpu.memory_space<vmem>>, vector<1x16xf32>,
        %get3A_559 = vector.shape_cast %get3A_558 : vector<1x16xf32> to vector<16xf32>
        %add3A_560 = arith.addf %add3A_538, %get3A_559 : vector<16xf32>
        %get3A_561 = arith.index_cast %scan3A_555 : i32 to index
        %get3A_562 = arith.constant 16 : index
        %get3A_563 = tpu.vector_load %arg7[%get3A_561, %get3A_562] {strides = array<i32>} : memref<200x64xf32, #tpu.memory_space<vmem>>, vector<1x16xf32>,
        %get3A_564 = vector.shape_cast %get3A_563 : vector<1x16xf32> to vector<16xf32>
        %add3A_565 = arith.addf %add3A_543, %get3A_564 : vector<16xf32>
        %get3A_566 = arith.index_cast %scan3A_555 : i32 to index
        %get3A_567 = arith.constant 32 : index
        %get3A_568 = tpu.vector_load %arg7[%get3A_566, %get3A_567] {strides = array<i32>} : memref<200x64xf32, #tpu.memory_space<vmem>>, vector<1x16xf32>,
        %get3A_569 = vector.shape_cast %get3A_568 : vector<1x16xf32> to vector<16xf32>
        %add3A_570 = arith.addf %add3A_548, %get3A_569 : vector<16xf32>
        %get3A_571 = arith.index_cast %scan3A_555 : i32 to index
        %get3A_572 = arith.constant 48 : index
        %get3A_573 = tpu.vector_load %arg7[%get3A_571, %get3A_572] {strides = array<i32>} : memref<200x64xf32, #tpu.memory_space<vmem>>, vector<1x16xf32>,
        %get3A_574 = vector.shape_cast %get3A_573 : vector<1x16xf32> to vector<16xf32>
        %add3A_575 = arith.addf %add3A_553, %get3A_574 : vector<16xf32>
        %scan3A_576 = arith.constant 3 : i32
        %scan3A_577 = arith.addi %scan3A_508, %scan3A_576 : i32
        %get3A_578 = arith.index_cast %scan3A_577 : i32 to index
        %get3A_579 = arith.constant 0 : index
        %get3A_580 = tpu.vector_load %arg7[%get3A_578, %get3A_579] {strides = array<i32>} : memref<200x64xf32, #tpu.memory_space<vmem>>, vector<1x16xf32>,
        %get3A_581 = vector.shape_cast %get3A_580 : vector<1x16xf32> to vector<16xf32>
        %add3A_582 = arith.addf %add3A_560, %get3A_581 : vector<16xf32>
        %get3A_583 = arith.index_cast %scan3A_577 : i32 to index
        %get3A_584 = arith.constant 16 : index
        %get3A_585 = tpu.vector_load %arg7[%get3A_583, %get3A_584] {strides = array<i32>} : memref<200x64xf32, #tpu.memory_space<vmem>>, vector<1x16xf32>,
        %get3A_586 = vector.shape_cast %get3A_585 : vector<1x16xf32> to vector<16xf32>
        %add3A_587 = arith.addf %add3A_565, %get3A_586 : vector<16xf32>
        %get3A_588 = arith.index_cast %scan3A_577 : i32 to index
        %get3A_589 = arith.constant 32 : index
        %get3A_590 = tpu.vector_load %arg7[%get3A_588, %get3A_589] {strides = array<i32>} : memref<200x64xf32, #tpu.memory_space<vmem>>, vector<1x16xf32>,
        %get3A_591 = vector.shape_cast %get3A_590 : vector<1x16xf32> to vector<16xf32>
        %add3A_592 = arith.addf %add3A_570, %get3A_591 : vector<16xf32>
        %get3A_593 = arith.index_cast %scan3A_577 : i32 to index
        %get3A_594 = arith.constant 48 : index
        %get3A_595 = tpu.vector_load %arg7[%get3A_593, %get3A_594] {strides = array<i32>} : memref<200x64xf32, #tpu.memory_space<vmem>>, vector<1x16xf32>,
        %get3A_596 = vector.shape_cast %get3A_595 : vector<1x16xf32> to vector<16xf32>
        %add3A_597 = arith.addf %add3A_575, %get3A_596 : vector<16xf32>
        scf.yield %add3A_582, %add3A_587, %add3A_592, %add3A_597 : vector<16xf32>, vector<16xf32>, vector<16xf32>, vector<16xf32>
      }
      %scan3A_361 = arith.constant 200 : i32
      %swap3A_362 = arith.index_cast %add3A_347 : i32 to index
      %swap3A_363 = arith.constant 0 : index
      %swap3A_364 = tpu.vector_load %arg10[%swap3A_362, %swap3A_363] {strides = array<i32>} : memref<128x64xf32, #tpu.memory_space<vmem>>, vector<1x16xf32>,
      %swap3A_365 = vector.shape_cast %swap3A_364 : vector<1x16xf32> to vector<16xf32>
      %swap3A_366 = vector.shape_cast %scan3A_360#0 : vector<16xf32> to vector<1x16xf32>
      tpu.vector_store %arg10[%swap3A_362, %swap3A_363], %swap3A_366 {strides = array<i32>} : memref<128x64xf32, #tpu.memory_space<vmem>>, vector<1x16xf32>,
      %swap3A_367 = arith.index_cast %add3A_347 : i32 to index
      %swap3A_368 = arith.constant 16 : index
      %swap3A_369 = tpu.vector_load %arg10[%swap3A_367, %swap3A_368] {strides = array<i32>} : memref<128x64xf32, #tpu.memory_space<vmem>>, vector<1x16xf32>,
      %swap3A_370 = vector.shape_cast %swap3A_369 : vector<1x16xf32> to vector<16xf32>
      %swap3A_371 = vector.shape_cast %scan3A_360#1 : vector<16xf32> to vector<1x16xf32>
      tpu.vector_store %arg10[%swap3A_367, %swap3A_368], %swap3A_371 {strides = array<i32>} : memref<128x64xf32, #tpu.memory_space<vmem>>, vector<1x16xf32>,
      %swap3A_372 = arith.index_cast %add3A_347 : i32 to index
      %swap3A_373 = arith.constant 32 : index
      %swap3A_374 = tpu.vector_load %arg10[%swap3A_372, %swap3A_373] {strides = array<i32>} : memref<128x64xf32, #tpu.memory_space<vmem>>, vector<1x16xf32>,
      %swap3A_375 = vector.shape_cast %swap3A_374 : vector<1x16xf32> to vector<16xf32>
      %swap3A_376 = vector.shape_cast %scan3A_360#2 : vector<16xf32> to vector<1x16xf32>
      tpu.vector_store %arg10[%swap3A_372, %swap3A_373], %swap3A_376 {strides = array<i32>} : memref<128x64xf32, #tpu.memory_space<vmem>>, vector<1x16xf32>,
      %swap3A_377 = arith.index_cast %add3A_347 : i32 to index
      %swap3A_378 = arith.constant 48 : index
      %swap3A_379 = tpu.vector_load %arg10[%swap3A_377, %swap3A_378] {strides = array<i32>} : memref<128x64xf32, #tpu.memory_space<vmem>>, vector<1x16xf32>,
      %swap3A_380 = vector.shape_cast %swap3A_379 : vector<1x16xf32> to vector<16xf32>
      %swap3A_381 = vector.shape_cast %scan3A_360#3 : vector<16xf32> to vector<1x16xf32>
      tpu.vector_store %arg10[%swap3A_377, %swap3A_378], %swap3A_381 {strides = array<i32>} : memref<128x64xf32, #tpu.memory_space<vmem>>, vector<1x16xf32>,
      %add3A_382 = arith.constant 5 : i32
      %add3A_383 = arith.addi %add3A_257, %add3A_382 : i32
      %mul3A_384 = arith.constant 200 : i32
      %mul3A_385 = arith.muli %add3A_383, %mul3A_384 : i32
      %multiple_of3A_386 = tpu.assume_multiple %mul3A_385, 8 : i32
      %dma_start3A_387 = arith.constant 0 : i32
      %dma_start3A_388 = arith.constant 0 : i32
      %dma_start3A_389 = tpu.memref_slice %arg7[%dma_start3A_387, %dma_start3A_388] : memref<200x64xf32, #tpu.memory_space<vmem>> -> memref<104x64xf32, #tpu.memory_space<vmem>>
      %dma_start3A_390 = tpu.memref_slice %arg5[%multiple_of3A_386] : memref<25600xi32, #tpu.memory_space<vmem>> -> memref<104xi32, #tpu.memory_space<vmem>>
      %dma_start3A_391 = arith.constant 0 : i32
      %dma_start3A_392 = arith.constant 0 : i32
      %dma_start3A_393 = tpu.memref_slice %arg3[%dma_start3A_391, %dma_start3A_392] : memref<2000000x64xf32, #tpu.memory_space<hbm>> -> memref<2000000x64xf32, #tpu.memory_space<hbm>>
      tpu.enqueue_indirect_dma source(%dma_start3A_393 : memref<2000000x64xf32, #tpu.memory_space<hbm>>) target(%dma_start3A_389 : memref<104x64xf32, #tpu.memory_space<vmem>>) offsets(%dma_start3A_390 : memref<104xi32, #tpu.memory_space<vmem>>) semaphore(%arg12 : memref<!tpu.dma_semaphore, #tpu.memory_space<semaphore_mem>>)
      %add3A_394 = arith.constant 104 : i32
      %add3A_395 = arith.addi %multiple_of3A_386, %add3A_394 : i32
      %dma_start3A_396 = arith.constant 104 : i32
      %dma_start3A_397 = arith.constant 0 : i32
      %dma_start3A_398 = tpu.memref_slice %arg7[%dma_start3A_396, %dma_start3A_397] : memref<200x64xf32, #tpu.memory_space<vmem>> -> memref<96x64xf32, #tpu.memory_space<vmem>>
      %dma_start3A_399 = tpu.memref_slice %arg5[%add3A_395] : memref<25600xi32, #tpu.memory_space<vmem>> -> memref<96xi32, #tpu.memory_space<vmem>>
      %dma_start3A_400 = arith.constant 0 : i32
      %dma_start3A_401 = arith.constant 0 : i32
      %dma_start3A_402 = tpu.memref_slice %arg3[%dma_start3A_400, %dma_start3A_401] : memref<2000000x64xf32, #tpu.memory_space<hbm>> -> memref<2000000x64xf32, #tpu.memory_space<hbm>>
      tpu.enqueue_indirect_dma source(%dma_start3A_402 : memref<2000000x64xf32, #tpu.memory_space<hbm>>) target(%dma_start3A_398 : memref<96x64xf32, #tpu.memory_space<vmem>>) offsets(%dma_start3A_399 : memref<96xi32, #tpu.memory_space<vmem>>) semaphore(%arg12 : memref<!tpu.dma_semaphore, #tpu.memory_space<semaphore_mem>>)
      %dma_wait3A_403 = arith.constant 0 : i32
      %dma_wait3A_404 = arith.constant 0 : i32
      %dma_wait3A_405 = tpu.memref_slice %arg3[%dma_wait3A_403, %dma_wait3A_404] : memref<2000000x64xf32, #tpu.memory_space<hbm>> -> memref<200x64xf32, #tpu.memory_space<hbm>>
      %dma_wait3A_406 = arith.constant 0 : i32
      %dma_wait3A_407 = arith.constant 0 : i32
      %dma_wait3A_408 = tpu.memref_slice %arg3[%dma_wait3A_406, %dma_wait3A_407] : memref<2000000x64xf32, #tpu.memory_space<hbm>> -> memref<200x64xf32, #tpu.memory_space<hbm>>
      tpu.wait_dma2 semaphore(%arg13 : memref<!tpu.dma_semaphore, #tpu.memory_space<semaphore_mem>>) src(%dma_wait3A_408 : memref<200x64xf32, #tpu.memory_space<hbm>>) dst(%arg8 : memref<200x64xf32, #tpu.memory_space<vmem>>)
      %add3A_409 = arith.constant 2 : i32
      %add3A_410 = arith.addi %add3A_257, %add3A_409 : i32
      %broadcast_in_dim3A_411 = arith.constant 0.000000e+00 : f32
      %broadcast_in_dim3A_412 = vector.broadcast %broadcast_in_dim3A_411 : f32 to vector<16xf32>
      %broadcast_in_dim3A_413 = arith.constant 0.000000e+00 : f32
      %broadcast_in_dim3A_414 = vector.broadcast %broadcast_in_dim3A_413 : f32 to vector<16xf32>
      %broadcast_in_dim3A_415 = arith.constant 0.000000e+00 : f32
      %broadcast_in_dim3A_416 = vector.broadcast %broadcast_in_dim3A_415 : f32 to vector<16xf32>
      %broadcast_in_dim3A_417 = arith.constant 0.000000e+00 : f32
      %broadcast_in_dim3A_418 = vector.broadcast %broadcast_in_dim3A_417 : f32 to vector<16xf32>
      %scan3A_419 = arith.constant 0 : i32
      %scan3A_420 = arith.constant 200 : i32
      %scan3A_421 = arith.addi %scan3A_419, %scan3A_420 : i32
      %scan3A_422 = arith.constant 4 : i32
      %scan3A_423:4 = scf.for %scan3A_508 = %scan3A_419 to %scan3A_421 step %scan3A_422 iter_args(%scan3A_509 = %broadcast_in_dim3A_412, %scan3A_510 = %broadcast_in_dim3A_414, %scan3A_511 = %broadcast_in_dim3A_416, %scan3A_512 = %broadcast_in_dim3A_418) -> (vector<16xf32>, vector<16xf32>, vector<16xf32>, vector<16xf32>)  : i32 {
        %get3A = arith.index_cast %scan3A_508 : i32 to index
        %get3A_513 = arith.constant 0 : index
        %get3A_514 = tpu.vector_load %arg8[%get3A, %get3A_513] {strides = array<i32>} : memref<200x64xf32, #tpu.memory_space<vmem>>, vector<1x16xf32>,
        %get3A_515 = vector.shape_cast %get3A_514 : vector<1x16xf32> to vector<16xf32>
        %add3A_516 = arith.addf %scan3A_509, %get3A_515 : vector<16xf32>
        %get3A_517 = arith.index_cast %scan3A_508 : i32 to index
        %get3A_518 = arith.constant 16 : index
        %get3A_519 = tpu.vector_load %arg8[%get3A_517, %get3A_518] {strides = array<i32>} : memref<200x64xf32, #tpu.memory_space<vmem>>, vector<1x16xf32>,
        %get3A_520 = vector.shape_cast %get3A_519 : vector<1x16xf32> to vector<16xf32>
        %add3A_521 = arith.addf %scan3A_510, %get3A_520 : vector<16xf32>
        %get3A_522 = arith.index_cast %scan3A_508 : i32 to index
        %get3A_523 = arith.constant 32 : index
        %get3A_524 = tpu.vector_load %arg8[%get3A_522, %get3A_523] {strides = array<i32>} : memref<200x64xf32, #tpu.memory_space<vmem>>, vector<1x16xf32>,
        %get3A_525 = vector.shape_cast %get3A_524 : vector<1x16xf32> to vector<16xf32>
        %add3A_526 = arith.addf %scan3A_511, %get3A_525 : vector<16xf32>
        %get3A_527 = arith.index_cast %scan3A_508 : i32 to index
        %get3A_528 = arith.constant 48 : index
        %get3A_529 = tpu.vector_load %arg8[%get3A_527, %get3A_528] {strides = array<i32>} : memref<200x64xf32, #tpu.memory_space<vmem>>, vector<1x16xf32>,
        %get3A_530 = vector.shape_cast %get3A_529 : vector<1x16xf32> to vector<16xf32>
        %add3A_531 = arith.addf %scan3A_512, %get3A_530 : vector<16xf32>
        %scan3A_532 = arith.constant 1 : i32
        %scan3A_533 = arith.addi %scan3A_508, %scan3A_532 : i32
        %get3A_534 = arith.index_cast %scan3A_533 : i32 to index
        %get3A_535 = arith.constant 0 : index
        %get3A_536 = tpu.vector_load %arg8[%get3A_534, %get3A_535] {strides = array<i32>} : memref<200x64xf32, #tpu.memory_space<vmem>>, vector<1x16xf32>,
        %get3A_537 = vector.shape_cast %get3A_536 : vector<1x16xf32> to vector<16xf32>
        %add3A_538 = arith.addf %add3A_516, %get3A_537 : vector<16xf32>
        %get3A_539 = arith.index_cast %scan3A_533 : i32 to index
        %get3A_540 = arith.constant 16 : index
        %get3A_541 = tpu.vector_load %arg8[%get3A_539, %get3A_540] {strides = array<i32>} : memref<200x64xf32, #tpu.memory_space<vmem>>, vector<1x16xf32>,
        %get3A_542 = vector.shape_cast %get3A_541 : vector<1x16xf32> to vector<16xf32>
        %add3A_543 = arith.addf %add3A_521, %get3A_542 : vector<16xf32>
        %get3A_544 = arith.index_cast %scan3A_533 : i32 to index
        %get3A_545 = arith.constant 32 : index
        %get3A_546 = tpu.vector_load %arg8[%get3A_544, %get3A_545] {strides = array<i32>} : memref<200x64xf32, #tpu.memory_space<vmem>>, vector<1x16xf32>,
        %get3A_547 = vector.shape_cast %get3A_546 : vector<1x16xf32> to vector<16xf32>
        %add3A_548 = arith.addf %add3A_526, %get3A_547 : vector<16xf32>
        %get3A_549 = arith.index_cast %scan3A_533 : i32 to index
        %get3A_550 = arith.constant 48 : index
        %get3A_551 = tpu.vector_load %arg8[%get3A_549, %get3A_550] {strides = array<i32>} : memref<200x64xf32, #tpu.memory_space<vmem>>, vector<1x16xf32>,
        %get3A_552 = vector.shape_cast %get3A_551 : vector<1x16xf32> to vector<16xf32>
        %add3A_553 = arith.addf %add3A_531, %get3A_552 : vector<16xf32>
        %scan3A_554 = arith.constant 2 : i32
        %scan3A_555 = arith.addi %scan3A_508, %scan3A_554 : i32
        %get3A_556 = arith.index_cast %scan3A_555 : i32 to index
        %get3A_557 = arith.constant 0 : index
        %get3A_558 = tpu.vector_load %arg8[%get3A_556, %get3A_557] {strides = array<i32>} : memref<200x64xf32, #tpu.memory_space<vmem>>, vector<1x16xf32>,
        %get3A_559 = vector.shape_cast %get3A_558 : vector<1x16xf32> to vector<16xf32>
        %add3A_560 = arith.addf %add3A_538, %get3A_559 : vector<16xf32>
        %get3A_561 = arith.index_cast %scan3A_555 : i32 to index
        %get3A_562 = arith.constant 16 : index
        %get3A_563 = tpu.vector_load %arg8[%get3A_561, %get3A_562] {strides = array<i32>} : memref<200x64xf32, #tpu.memory_space<vmem>>, vector<1x16xf32>,
        %get3A_564 = vector.shape_cast %get3A_563 : vector<1x16xf32> to vector<16xf32>
        %add3A_565 = arith.addf %add3A_543, %get3A_564 : vector<16xf32>
        %get3A_566 = arith.index_cast %scan3A_555 : i32 to index
        %get3A_567 = arith.constant 32 : index
        %get3A_568 = tpu.vector_load %arg8[%get3A_566, %get3A_567] {strides = array<i32>} : memref<200x64xf32, #tpu.memory_space<vmem>>, vector<1x16xf32>,
        %get3A_569 = vector.shape_cast %get3A_568 : vector<1x16xf32> to vector<16xf32>
        %add3A_570 = arith.addf %add3A_548, %get3A_569 : vector<16xf32>
        %get3A_571 = arith.index_cast %scan3A_555 : i32 to index
        %get3A_572 = arith.constant 48 : index
        %get3A_573 = tpu.vector_load %arg8[%get3A_571, %get3A_572] {strides = array<i32>} : memref<200x64xf32, #tpu.memory_space<vmem>>, vector<1x16xf32>,
        %get3A_574 = vector.shape_cast %get3A_573 : vector<1x16xf32> to vector<16xf32>
        %add3A_575 = arith.addf %add3A_553, %get3A_574 : vector<16xf32>
        %scan3A_576 = arith.constant 3 : i32
        %scan3A_577 = arith.addi %scan3A_508, %scan3A_576 : i32
        %get3A_578 = arith.index_cast %scan3A_577 : i32 to index
        %get3A_579 = arith.constant 0 : index
        %get3A_580 = tpu.vector_load %arg8[%get3A_578, %get3A_579] {strides = array<i32>} : memref<200x64xf32, #tpu.memory_space<vmem>>, vector<1x16xf32>,
        %get3A_581 = vector.shape_cast %get3A_580 : vector<1x16xf32> to vector<16xf32>
        %add3A_582 = arith.addf %add3A_560, %get3A_581 : vector<16xf32>
        %get3A_583 = arith.index_cast %scan3A_577 : i32 to index
        %get3A_584 = arith.constant 16 : index
        %get3A_585 = tpu.vector_load %arg8[%get3A_583, %get3A_584] {strides = array<i32>} : memref<200x64xf32, #tpu.memory_space<vmem>>, vector<1x16xf32>,
        %get3A_586 = vector.shape_cast %get3A_585 : vector<1x16xf32> to vector<16xf32>
        %add3A_587 = arith.addf %add3A_565, %get3A_586 : vector<16xf32>
        %get3A_588 = arith.index_cast %scan3A_577 : i32 to index
        %get3A_589 = arith.constant 32 : index
        %get3A_590 = tpu.vector_load %arg8[%get3A_588, %get3A_589] {strides = array<i32>} : memref<200x64xf32, #tpu.memory_space<vmem>>, vector<1x16xf32>,
        %get3A_591 = vector.shape_cast %get3A_590 : vector<1x16xf32> to vector<16xf32>
        %add3A_592 = arith.addf %add3A_570, %get3A_591 : vector<16xf32>
        %get3A_593 = arith.index_cast %scan3A_577 : i32 to index
        %get3A_594 = arith.constant 48 : index
        %get3A_595 = tpu.vector_load %arg8[%get3A_593, %get3A_594] {strides = array<i32>} : memref<200x64xf32, #tpu.memory_space<vmem>>, vector<1x16xf32>,
        %get3A_596 = vector.shape_cast %get3A_595 : vector<1x16xf32> to vector<16xf32>
        %add3A_597 = arith.addf %add3A_575, %get3A_596 : vector<16xf32>
        scf.yield %add3A_582, %add3A_587, %add3A_592, %add3A_597 : vector<16xf32>, vector<16xf32>, vector<16xf32>, vector<16xf32>
      }
      %scan3A_424 = arith.constant 200 : i32
      %swap3A_425 = arith.index_cast %add3A_410 : i32 to index
      %swap3A_426 = arith.constant 0 : index
      %swap3A_427 = tpu.vector_load %arg10[%swap3A_425, %swap3A_426] {strides = array<i32>} : memref<128x64xf32, #tpu.memory_space<vmem>>, vector<1x16xf32>,
      %swap3A_428 = vector.shape_cast %swap3A_427 : vector<1x16xf32> to vector<16xf32>
      %swap3A_429 = vector.shape_cast %scan3A_423#0 : vector<16xf32> to vector<1x16xf32>
      tpu.vector_store %arg10[%swap3A_425, %swap3A_426], %swap3A_429 {strides = array<i32>} : memref<128x64xf32, #tpu.memory_space<vmem>>, vector<1x16xf32>,
      %swap3A_430 = arith.index_cast %add3A_410 : i32 to index
      %swap3A_431 = arith.constant 16 : index
      %swap3A_432 = tpu.vector_load %arg10[%swap3A_430, %swap3A_431] {strides = array<i32>} : memref<128x64xf32, #tpu.memory_space<vmem>>, vector<1x16xf32>,
      %swap3A_433 = vector.shape_cast %swap3A_432 : vector<1x16xf32> to vector<16xf32>
      %swap3A_434 = vector.shape_cast %scan3A_423#1 : vector<16xf32> to vector<1x16xf32>
      tpu.vector_store %arg10[%swap3A_430, %swap3A_431], %swap3A_434 {strides = array<i32>} : memref<128x64xf32, #tpu.memory_space<vmem>>, vector<1x16xf32>,
      %swap3A_435 = arith.index_cast %add3A_410 : i32 to index
      %swap3A_436 = arith.constant 32 : index
      %swap3A_437 = tpu.vector_load %arg10[%swap3A_435, %swap3A_436] {strides = array<i32>} : memref<128x64xf32, #tpu.memory_space<vmem>>, vector<1x16xf32>,
      %swap3A_438 = vector.shape_cast %swap3A_437 : vector<1x16xf32> to vector<16xf32>
      %swap3A_439 = vector.shape_cast %scan3A_423#2 : vector<16xf32> to vector<1x16xf32>
      tpu.vector_store %arg10[%swap3A_435, %swap3A_436], %swap3A_439 {strides = array<i32>} : memref<128x64xf32, #tpu.memory_space<vmem>>, vector<1x16xf32>,
      %swap3A_440 = arith.index_cast %add3A_410 : i32 to index
      %swap3A_441 = arith.constant 48 : index
      %swap3A_442 = tpu.vector_load %arg10[%swap3A_440, %swap3A_441] {strides = array<i32>} : memref<128x64xf32, #tpu.memory_space<vmem>>, vector<1x16xf32>,
      %swap3A_443 = vector.shape_cast %swap3A_442 : vector<1x16xf32> to vector<16xf32>
      %swap3A_444 = vector.shape_cast %scan3A_423#3 : vector<16xf32> to vector<1x16xf32>
      tpu.vector_store %arg10[%swap3A_440, %swap3A_441], %swap3A_444 {strides = array<i32>} : memref<128x64xf32, #tpu.memory_space<vmem>>, vector<1x16xf32>,
      %add3A_445 = arith.constant 6 : i32
      %add3A_446 = arith.addi %add3A_257, %add3A_445 : i32
      %mul3A_447 = arith.constant 200 : i32
      %mul3A_448 = arith.muli %add3A_446, %mul3A_447 : i32
      %multiple_of3A_449 = tpu.assume_multiple %mul3A_448, 8 : i32
      %dma_start3A_450 = arith.constant 0 : i32
      %dma_start3A_451 = arith.constant 0 : i32
      %dma_start3A_452 = tpu.memref_slice %arg8[%dma_start3A_450, %dma_start3A_451] : memref<200x64xf32, #tpu.memory_space<vmem>> -> memref<104x64xf32, #tpu.memory_space<vmem>>
      %dma_start3A_453 = tpu.memref_slice %arg5[%multiple_of3A_449] : memref<25600xi32, #tpu.memory_space<vmem>> -> memref<104xi32, #tpu.memory_space<vmem>>
      %dma_start3A_454 = arith.constant 0 : i32
      %dma_start3A_455 = arith.constant 0 : i32
      %dma_start3A_456 = tpu.memref_slice %arg3[%dma_start3A_454, %dma_start3A_455] : memref<2000000x64xf32, #tpu.memory_space<hbm>> -> memref<2000000x64xf32, #tpu.memory_space<hbm>>
      tpu.enqueue_indirect_dma source(%dma_start3A_456 : memref<2000000x64xf32, #tpu.memory_space<hbm>>) target(%dma_start3A_452 : memref<104x64xf32, #tpu.memory_space<vmem>>) offsets(%dma_start3A_453 : memref<104xi32, #tpu.memory_space<vmem>>) semaphore(%arg13 : memref<!tpu.dma_semaphore, #tpu.memory_space<semaphore_mem>>)
      %add3A_457 = arith.constant 104 : i32
      %add3A_458 = arith.addi %multiple_of3A_449, %add3A_457 : i32
      %dma_start3A_459 = arith.constant 104 : i32
      %dma_start3A_460 = arith.constant 0 : i32
      %dma_start3A_461 = tpu.memref_slice %arg8[%dma_start3A_459, %dma_start3A_460] : memref<200x64xf32, #tpu.memory_space<vmem>> -> memref<96x64xf32, #tpu.memory_space<vmem>>
      %dma_start3A_462 = tpu.memref_slice %arg5[%add3A_458] : memref<25600xi32, #tpu.memory_space<vmem>> -> memref<96xi32, #tpu.memory_space<vmem>>
      %dma_start3A_463 = arith.constant 0 : i32
      %dma_start3A_464 = arith.constant 0 : i32
      %dma_start3A_465 = tpu.memref_slice %arg3[%dma_start3A_463, %dma_start3A_464] : memref<2000000x64xf32, #tpu.memory_space<hbm>> -> memref<2000000x64xf32, #tpu.memory_space<hbm>>
      tpu.enqueue_indirect_dma source(%dma_start3A_465 : memref<2000000x64xf32, #tpu.memory_space<hbm>>) target(%dma_start3A_461 : memref<96x64xf32, #tpu.memory_space<vmem>>) offsets(%dma_start3A_462 : memref<96xi32, #tpu.memory_space<vmem>>) semaphore(%arg13 : memref<!tpu.dma_semaphore, #tpu.memory_space<semaphore_mem>>)
      %dma_wait3A_466 = arith.constant 0 : i32
      %dma_wait3A_467 = arith.constant 0 : i32
      %dma_wait3A_468 = tpu.memref_slice %arg3[%dma_wait3A_466, %dma_wait3A_467] : memref<2000000x64xf32, #tpu.memory_space<hbm>> -> memref<200x64xf32, #tpu.memory_space<hbm>>
      %dma_wait3A_469 = arith.constant 0 : i32
      %dma_wait3A_470 = arith.constant 0 : i32
      %dma_wait3A_471 = tpu.memref_slice %arg3[%dma_wait3A_469, %dma_wait3A_470] : memref<2000000x64xf32, #tpu.memory_space<hbm>> -> memref<200x64xf32, #tpu.memory_space<hbm>>
      tpu.wait_dma2 semaphore(%arg14 : memref<!tpu.dma_semaphore, #tpu.memory_space<semaphore_mem>>) src(%dma_wait3A_471 : memref<200x64xf32, #tpu.memory_space<hbm>>) dst(%arg9 : memref<200x64xf32, #tpu.memory_space<vmem>>)
      %add3A_472 = arith.constant 3 : i32
      %add3A_473 = arith.addi %add3A_257, %add3A_472 : i32
      %broadcast_in_dim3A_474 = arith.constant 0.000000e+00 : f32
      %broadcast_in_dim3A_475 = vector.broadcast %broadcast_in_dim3A_474 : f32 to vector<16xf32>
      %broadcast_in_dim3A_476 = arith.constant 0.000000e+00 : f32
      %broadcast_in_dim3A_477 = vector.broadcast %broadcast_in_dim3A_476 : f32 to vector<16xf32>
      %broadcast_in_dim3A_478 = arith.constant 0.000000e+00 : f32
      %broadcast_in_dim3A_479 = vector.broadcast %broadcast_in_dim3A_478 : f32 to vector<16xf32>
      %broadcast_in_dim3A_480 = arith.constant 0.000000e+00 : f32
      %broadcast_in_dim3A_481 = vector.broadcast %broadcast_in_dim3A_480 : f32 to vector<16xf32>
      %scan3A_482 = arith.constant 0 : i32
      %scan3A_483 = arith.constant 200 : i32
      %scan3A_484 = arith.addi %scan3A_482, %scan3A_483 : i32
      %scan3A_485 = arith.constant 4 : i32
      %scan3A_486:4 = scf.for %scan3A_508 = %scan3A_482 to %scan3A_484 step %scan3A_485 iter_args(%scan3A_509 = %broadcast_in_dim3A_475, %scan3A_510 = %broadcast_in_dim3A_477, %scan3A_511 = %broadcast_in_dim3A_479, %scan3A_512 = %broadcast_in_dim3A_481) -> (vector<16xf32>, vector<16xf32>, vector<16xf32>, vector<16xf32>)  : i32 {
        %get3A = arith.index_cast %scan3A_508 : i32 to index
        %get3A_513 = arith.constant 0 : index
        %get3A_514 = tpu.vector_load %arg9[%get3A, %get3A_513] {strides = array<i32>} : memref<200x64xf32, #tpu.memory_space<vmem>>, vector<1x16xf32>,
        %get3A_515 = vector.shape_cast %get3A_514 : vector<1x16xf32> to vector<16xf32>
        %add3A_516 = arith.addf %scan3A_509, %get3A_515 : vector<16xf32>
        %get3A_517 = arith.index_cast %scan3A_508 : i32 to index
        %get3A_518 = arith.constant 16 : index
        %get3A_519 = tpu.vector_load %arg9[%get3A_517, %get3A_518] {strides = array<i32>} : memref<200x64xf32, #tpu.memory_space<vmem>>, vector<1x16xf32>,
        %get3A_520 = vector.shape_cast %get3A_519 : vector<1x16xf32> to vector<16xf32>
        %add3A_521 = arith.addf %scan3A_510, %get3A_520 : vector<16xf32>
        %get3A_522 = arith.index_cast %scan3A_508 : i32 to index
        %get3A_523 = arith.constant 32 : index
        %get3A_524 = tpu.vector_load %arg9[%get3A_522, %get3A_523] {strides = array<i32>} : memref<200x64xf32, #tpu.memory_space<vmem>>, vector<1x16xf32>,
        %get3A_525 = vector.shape_cast %get3A_524 : vector<1x16xf32> to vector<16xf32>
        %add3A_526 = arith.addf %scan3A_511, %get3A_525 : vector<16xf32>
        %get3A_527 = arith.index_cast %scan3A_508 : i32 to index
        %get3A_528 = arith.constant 48 : index
        %get3A_529 = tpu.vector_load %arg9[%get3A_527, %get3A_528] {strides = array<i32>} : memref<200x64xf32, #tpu.memory_space<vmem>>, vector<1x16xf32>,
        %get3A_530 = vector.shape_cast %get3A_529 : vector<1x16xf32> to vector<16xf32>
        %add3A_531 = arith.addf %scan3A_512, %get3A_530 : vector<16xf32>
        %scan3A_532 = arith.constant 1 : i32
        %scan3A_533 = arith.addi %scan3A_508, %scan3A_532 : i32
        %get3A_534 = arith.index_cast %scan3A_533 : i32 to index
        %get3A_535 = arith.constant 0 : index
        %get3A_536 = tpu.vector_load %arg9[%get3A_534, %get3A_535] {strides = array<i32>} : memref<200x64xf32, #tpu.memory_space<vmem>>, vector<1x16xf32>,
        %get3A_537 = vector.shape_cast %get3A_536 : vector<1x16xf32> to vector<16xf32>
        %add3A_538 = arith.addf %add3A_516, %get3A_537 : vector<16xf32>
        %get3A_539 = arith.index_cast %scan3A_533 : i32 to index
        %get3A_540 = arith.constant 16 : index
        %get3A_541 = tpu.vector_load %arg9[%get3A_539, %get3A_540] {strides = array<i32>} : memref<200x64xf32, #tpu.memory_space<vmem>>, vector<1x16xf32>,
        %get3A_542 = vector.shape_cast %get3A_541 : vector<1x16xf32> to vector<16xf32>
        %add3A_543 = arith.addf %add3A_521, %get3A_542 : vector<16xf32>
        %get3A_544 = arith.index_cast %scan3A_533 : i32 to index
        %get3A_545 = arith.constant 32 : index
        %get3A_546 = tpu.vector_load %arg9[%get3A_544, %get3A_545] {strides = array<i32>} : memref<200x64xf32, #tpu.memory_space<vmem>>, vector<1x16xf32>,
        %get3A_547 = vector.shape_cast %get3A_546 : vector<1x16xf32> to vector<16xf32>
        %add3A_548 = arith.addf %add3A_526, %get3A_547 : vector<16xf32>
        %get3A_549 = arith.index_cast %scan3A_533 : i32 to index
        %get3A_550 = arith.constant 48 : index
        %get3A_551 = tpu.vector_load %arg9[%get3A_549, %get3A_550] {strides = array<i32>} : memref<200x64xf32, #tpu.memory_space<vmem>>, vector<1x16xf32>,
        %get3A_552 = vector.shape_cast %get3A_551 : vector<1x16xf32> to vector<16xf32>
        %add3A_553 = arith.addf %add3A_531, %get3A_552 : vector<16xf32>
        %scan3A_554 = arith.constant 2 : i32
        %scan3A_555 = arith.addi %scan3A_508, %scan3A_554 : i32
        %get3A_556 = arith.index_cast %scan3A_555 : i32 to index
        %get3A_557 = arith.constant 0 : index
        %get3A_558 = tpu.vector_load %arg9[%get3A_556, %get3A_557] {strides = array<i32>} : memref<200x64xf32, #tpu.memory_space<vmem>>, vector<1x16xf32>,
        %get3A_559 = vector.shape_cast %get3A_558 : vector<1x16xf32> to vector<16xf32>
        %add3A_560 = arith.addf %add3A_538, %get3A_559 : vector<16xf32>
        %get3A_561 = arith.index_cast %scan3A_555 : i32 to index
        %get3A_562 = arith.constant 16 : index
        %get3A_563 = tpu.vector_load %arg9[%get3A_561, %get3A_562] {strides = array<i32>} : memref<200x64xf32, #tpu.memory_space<vmem>>, vector<1x16xf32>,
        %get3A_564 = vector.shape_cast %get3A_563 : vector<1x16xf32> to vector<16xf32>
        %add3A_565 = arith.addf %add3A_543, %get3A_564 : vector<16xf32>
        %get3A_566 = arith.index_cast %scan3A_555 : i32 to index
        %get3A_567 = arith.constant 32 : index
        %get3A_568 = tpu.vector_load %arg9[%get3A_566, %get3A_567] {strides = array<i32>} : memref<200x64xf32, #tpu.memory_space<vmem>>, vector<1x16xf32>,
        %get3A_569 = vector.shape_cast %get3A_568 : vector<1x16xf32> to vector<16xf32>
        %add3A_570 = arith.addf %add3A_548, %get3A_569 : vector<16xf32>
        %get3A_571 = arith.index_cast %scan3A_555 : i32 to index
        %get3A_572 = arith.constant 48 : index
        %get3A_573 = tpu.vector_load %arg9[%get3A_571, %get3A_572] {strides = array<i32>} : memref<200x64xf32, #tpu.memory_space<vmem>>, vector<1x16xf32>,
        %get3A_574 = vector.shape_cast %get3A_573 : vector<1x16xf32> to vector<16xf32>
        %add3A_575 = arith.addf %add3A_553, %get3A_574 : vector<16xf32>
        %scan3A_576 = arith.constant 3 : i32
        %scan3A_577 = arith.addi %scan3A_508, %scan3A_576 : i32
        %get3A_578 = arith.index_cast %scan3A_577 : i32 to index
        %get3A_579 = arith.constant 0 : index
        %get3A_580 = tpu.vector_load %arg9[%get3A_578, %get3A_579] {strides = array<i32>} : memref<200x64xf32, #tpu.memory_space<vmem>>, vector<1x16xf32>,
        %get3A_581 = vector.shape_cast %get3A_580 : vector<1x16xf32> to vector<16xf32>
        %add3A_582 = arith.addf %add3A_560, %get3A_581 : vector<16xf32>
        %get3A_583 = arith.index_cast %scan3A_577 : i32 to index
        %get3A_584 = arith.constant 16 : index
        %get3A_585 = tpu.vector_load %arg9[%get3A_583, %get3A_584] {strides = array<i32>} : memref<200x64xf32, #tpu.memory_space<vmem>>, vector<1x16xf32>,
        %get3A_586 = vector.shape_cast %get3A_585 : vector<1x16xf32> to vector<16xf32>
        %add3A_587 = arith.addf %add3A_565, %get3A_586 : vector<16xf32>
        %get3A_588 = arith.index_cast %scan3A_577 : i32 to index
        %get3A_589 = arith.constant 32 : index
        %get3A_590 = tpu.vector_load %arg9[%get3A_588, %get3A_589] {strides = array<i32>} : memref<200x64xf32, #tpu.memory_space<vmem>>, vector<1x16xf32>,
        %get3A_591 = vector.shape_cast %get3A_590 : vector<1x16xf32> to vector<16xf32>
        %add3A_592 = arith.addf %add3A_570, %get3A_591 : vector<16xf32>
        %get3A_593 = arith.index_cast %scan3A_577 : i32 to index
        %get3A_594 = arith.constant 48 : index
        %get3A_595 = tpu.vector_load %arg9[%get3A_593, %get3A_594] {strides = array<i32>} : memref<200x64xf32, #tpu.memory_space<vmem>>, vector<1x16xf32>,
        %get3A_596 = vector.shape_cast %get3A_595 : vector<1x16xf32> to vector<16xf32>
        %add3A_597 = arith.addf %add3A_575, %get3A_596 : vector<16xf32>
        scf.yield %add3A_582, %add3A_587, %add3A_592, %add3A_597 : vector<16xf32>, vector<16xf32>, vector<16xf32>, vector<16xf32>
      }
      %scan3A_487 = arith.constant 200 : i32
      %swap3A_488 = arith.index_cast %add3A_473 : i32 to index
      %swap3A_489 = arith.constant 0 : index
      %swap3A_490 = tpu.vector_load %arg10[%swap3A_488, %swap3A_489] {strides = array<i32>} : memref<128x64xf32, #tpu.memory_space<vmem>>, vector<1x16xf32>,
      %swap3A_491 = vector.shape_cast %swap3A_490 : vector<1x16xf32> to vector<16xf32>
      %swap3A_492 = vector.shape_cast %scan3A_486#0 : vector<16xf32> to vector<1x16xf32>
      tpu.vector_store %arg10[%swap3A_488, %swap3A_489], %swap3A_492 {strides = array<i32>} : memref<128x64xf32, #tpu.memory_space<vmem>>, vector<1x16xf32>,
      %swap3A_493 = arith.index_cast %add3A_473 : i32 to index
      %swap3A_494 = arith.constant 16 : index
      %swap3A_495 = tpu.vector_load %arg10[%swap3A_493, %swap3A_494] {strides = array<i32>} : memref<128x64xf32, #tpu.memory_space<vmem>>, vector<1x16xf32>,
      %swap3A_496 = vector.shape_cast %swap3A_495 : vector<1x16xf32> to vector<16xf32>
      %swap3A_497 = vector.shape_cast %scan3A_486#1 : vector<16xf32> to vector<1x16xf32>
      tpu.vector_store %arg10[%swap3A_493, %swap3A_494], %swap3A_497 {strides = array<i32>} : memref<128x64xf32, #tpu.memory_space<vmem>>, vector<1x16xf32>,
      %swap3A_498 = arith.index_cast %add3A_473 : i32 to index
      %swap3A_499 = arith.constant 32 : index
      %swap3A_500 = tpu.vector_load %arg10[%swap3A_498, %swap3A_499] {strides = array<i32>} : memref<128x64xf32, #tpu.memory_space<vmem>>, vector<1x16xf32>,
      %swap3A_501 = vector.shape_cast %swap3A_500 : vector<1x16xf32> to vector<16xf32>
      %swap3A_502 = vector.shape_cast %scan3A_486#2 : vector<16xf32> to vector<1x16xf32>
      tpu.vector_store %arg10[%swap3A_498, %swap3A_499], %swap3A_502 {strides = array<i32>} : memref<128x64xf32, #tpu.memory_space<vmem>>, vector<1x16xf32>,
      %swap3A_503 = arith.index_cast %add3A_473 : i32 to index
      %swap3A_504 = arith.constant 48 : index
      %swap3A_505 = tpu.vector_load %arg10[%swap3A_503, %swap3A_504] {strides = array<i32>} : memref<128x64xf32, #tpu.memory_space<vmem>>, vector<1x16xf32>,
      %swap3A_506 = vector.shape_cast %swap3A_505 : vector<1x16xf32> to vector<16xf32>
      %swap3A_507 = vector.shape_cast %scan3A_486#3 : vector<16xf32> to vector<1x16xf32>
      tpu.vector_store %arg10[%swap3A_503, %swap3A_504], %swap3A_507 {strides = array<i32>} : memref<128x64xf32, #tpu.memory_space<vmem>>, vector<1x16xf32>,
    }
    %scan3A_61 = arith.constant 31 : i32
    %multiple_of3A_62 = arith.constant 25400 : i32
    %multiple_of3A_63 = tpu.assume_multiple %multiple_of3A_62, 8 : i32
    %dma_start3A_64 = arith.constant 0 : i32
    %dma_start3A_65 = arith.constant 0 : i32
    %dma_start3A_66 = tpu.memref_slice %arg9[%dma_start3A_64, %dma_start3A_65] : memref<200x64xf32, #tpu.memory_space<vmem>> -> memref<104x64xf32, #tpu.memory_space<vmem>>
    %dma_start3A_67 = tpu.memref_slice %arg5[%multiple_of3A_63] : memref<25600xi32, #tpu.memory_space<vmem>> -> memref<104xi32, #tpu.memory_space<vmem>>
    %dma_start3A_68 = arith.constant 0 : i32
    %dma_start3A_69 = arith.constant 0 : i32
    %dma_start3A_70 = tpu.memref_slice %arg3[%dma_start3A_68, %dma_start3A_69] : memref<2000000x64xf32, #tpu.memory_space<hbm>> -> memref<2000000x64xf32, #tpu.memory_space<hbm>>
    tpu.enqueue_indirect_dma source(%dma_start3A_70 : memref<2000000x64xf32, #tpu.memory_space<hbm>>) target(%dma_start3A_66 : memref<104x64xf32, #tpu.memory_space<vmem>>) offsets(%dma_start3A_67 : memref<104xi32, #tpu.memory_space<vmem>>) semaphore(%arg14 : memref<!tpu.dma_semaphore, #tpu.memory_space<semaphore_mem>>)
    %add3A_71 = arith.constant 104 : i32
    %add3A_72 = arith.addi %multiple_of3A_63, %add3A_71 : i32
    %dma_start3A_73 = arith.constant 104 : i32
    %dma_start3A_74 = arith.constant 0 : i32
    %dma_start3A_75 = tpu.memref_slice %arg9[%dma_start3A_73, %dma_start3A_74] : memref<200x64xf32, #tpu.memory_space<vmem>> -> memref<96x64xf32, #tpu.memory_space<vmem>>
    %dma_start3A_76 = tpu.memref_slice %arg5[%add3A_72] : memref<25600xi32, #tpu.memory_space<vmem>> -> memref<96xi32, #tpu.memory_space<vmem>>
    %dma_start3A_77 = arith.constant 0 : i32
    %dma_start3A_78 = arith.constant 0 : i32
    %dma_start3A_79 = tpu.memref_slice %arg3[%dma_start3A_77, %dma_start3A_78] : memref<2000000x64xf32, #tpu.memory_space<hbm>> -> memref<2000000x64xf32, #tpu.memory_space<hbm>>
    tpu.enqueue_indirect_dma source(%dma_start3A_79 : memref<2000000x64xf32, #tpu.memory_space<hbm>>) target(%dma_start3A_75 : memref<96x64xf32, #tpu.memory_space<vmem>>) offsets(%dma_start3A_76 : memref<96xi32, #tpu.memory_space<vmem>>) semaphore(%arg14 : memref<!tpu.dma_semaphore, #tpu.memory_space<semaphore_mem>>)
    %dma_wait3A = arith.constant 0 : i32
    %dma_wait3A_80 = arith.constant 0 : i32
    %dma_wait3A_81 = tpu.memref_slice %arg3[%dma_wait3A, %dma_wait3A_80] : memref<2000000x64xf32, #tpu.memory_space<hbm>> -> memref<200x64xf32, #tpu.memory_space<hbm>>
    %dma_wait3A_82 = arith.constant 0 : i32
    %dma_wait3A_83 = arith.constant 0 : i32
    %dma_wait3A_84 = tpu.memref_slice %arg3[%dma_wait3A_82, %dma_wait3A_83] : memref<2000000x64xf32, #tpu.memory_space<hbm>> -> memref<200x64xf32, #tpu.memory_space<hbm>>
    tpu.wait_dma2 semaphore(%arg11 : memref<!tpu.dma_semaphore, #tpu.memory_space<semaphore_mem>>) src(%dma_wait3A_84 : memref<200x64xf32, #tpu.memory_space<hbm>>) dst(%arg6 : memref<200x64xf32, #tpu.memory_space<vmem>>)
    %broadcast_in_dim3A = arith.constant 0.000000e+00 : f32
    %broadcast_in_dim3A_85 = vector.broadcast %broadcast_in_dim3A : f32 to vector<16xf32>
    %broadcast_in_dim3A_86 = arith.constant 0.000000e+00 : f32
    %broadcast_in_dim3A_87 = vector.broadcast %broadcast_in_dim3A_86 : f32 to vector<16xf32>
    %broadcast_in_dim3A_88 = arith.constant 0.000000e+00 : f32
    %broadcast_in_dim3A_89 = vector.broadcast %broadcast_in_dim3A_88 : f32 to vector<16xf32>
    %broadcast_in_dim3A_90 = arith.constant 0.000000e+00 : f32
    %broadcast_in_dim3A_91 = vector.broadcast %broadcast_in_dim3A_90 : f32 to vector<16xf32>
    %scan3A_92 = arith.constant 0 : i32
    %scan3A_93 = arith.constant 200 : i32
    %scan3A_94 = arith.addi %scan3A_92, %scan3A_93 : i32
    %scan3A_95 = arith.constant 4 : i32
    %scan3A_96:4 = scf.for %scan3A_253 = %scan3A_92 to %scan3A_94 step %scan3A_95 iter_args(%scan3A_254 = %broadcast_in_dim3A_85, %scan3A_255 = %broadcast_in_dim3A_87, %scan3A_256 = %broadcast_in_dim3A_89, %scan3A_257 = %broadcast_in_dim3A_91) -> (vector<16xf32>, vector<16xf32>, vector<16xf32>, vector<16xf32>)  : i32 {
      %get3A = arith.index_cast %scan3A_253 : i32 to index
      %get3A_258 = arith.constant 0 : index
      %get3A_259 = tpu.vector_load %arg6[%get3A, %get3A_258] {strides = array<i32>} : memref<200x64xf32, #tpu.memory_space<vmem>>, vector<1x16xf32>,
      %get3A_260 = vector.shape_cast %get3A_259 : vector<1x16xf32> to vector<16xf32>
      %add3A_261 = arith.addf %scan3A_254, %get3A_260 : vector<16xf32>
      %get3A_262 = arith.index_cast %scan3A_253 : i32 to index
      %get3A_263 = arith.constant 16 : index
      %get3A_264 = tpu.vector_load %arg6[%get3A_262, %get3A_263] {strides = array<i32>} : memref<200x64xf32, #tpu.memory_space<vmem>>, vector<1x16xf32>,
      %get3A_265 = vector.shape_cast %get3A_264 : vector<1x16xf32> to vector<16xf32>
      %add3A_266 = arith.addf %scan3A_255, %get3A_265 : vector<16xf32>
      %get3A_267 = arith.index_cast %scan3A_253 : i32 to index
      %get3A_268 = arith.constant 32 : index
      %get3A_269 = tpu.vector_load %arg6[%get3A_267, %get3A_268] {strides = array<i32>} : memref<200x64xf32, #tpu.memory_space<vmem>>, vector<1x16xf32>,
      %get3A_270 = vector.shape_cast %get3A_269 : vector<1x16xf32> to vector<16xf32>
      %add3A_271 = arith.addf %scan3A_256, %get3A_270 : vector<16xf32>
      %get3A_272 = arith.index_cast %scan3A_253 : i32 to index
      %get3A_273 = arith.constant 48 : index
      %get3A_274 = tpu.vector_load %arg6[%get3A_272, %get3A_273] {strides = array<i32>} : memref<200x64xf32, #tpu.memory_space<vmem>>, vector<1x16xf32>,
      %get3A_275 = vector.shape_cast %get3A_274 : vector<1x16xf32> to vector<16xf32>
      %add3A_276 = arith.addf %scan3A_257, %get3A_275 : vector<16xf32>
      %scan3A_277 = arith.constant 1 : i32
      %scan3A_278 = arith.addi %scan3A_253, %scan3A_277 : i32
      %get3A_279 = arith.index_cast %scan3A_278 : i32 to index
      %get3A_280 = arith.constant 0 : index
      %get3A_281 = tpu.vector_load %arg6[%get3A_279, %get3A_280] {strides = array<i32>} : memref<200x64xf32, #tpu.memory_space<vmem>>, vector<1x16xf32>,
      %get3A_282 = vector.shape_cast %get3A_281 : vector<1x16xf32> to vector<16xf32>
      %add3A_283 = arith.addf %add3A_261, %get3A_282 : vector<16xf32>
      %get3A_284 = arith.index_cast %scan3A_278 : i32 to index
      %get3A_285 = arith.constant 16 : index
      %get3A_286 = tpu.vector_load %arg6[%get3A_284, %get3A_285] {strides = array<i32>} : memref<200x64xf32, #tpu.memory_space<vmem>>, vector<1x16xf32>,
      %get3A_287 = vector.shape_cast %get3A_286 : vector<1x16xf32> to vector<16xf32>
      %add3A_288 = arith.addf %add3A_266, %get3A_287 : vector<16xf32>
      %get3A_289 = arith.index_cast %scan3A_278 : i32 to index
      %get3A_290 = arith.constant 32 : index
      %get3A_291 = tpu.vector_load %arg6[%get3A_289, %get3A_290] {strides = array<i32>} : memref<200x64xf32, #tpu.memory_space<vmem>>, vector<1x16xf32>,
      %get3A_292 = vector.shape_cast %get3A_291 : vector<1x16xf32> to vector<16xf32>
      %add3A_293 = arith.addf %add3A_271, %get3A_292 : vector<16xf32>
      %get3A_294 = arith.index_cast %scan3A_278 : i32 to index
      %get3A_295 = arith.constant 48 : index
      %get3A_296 = tpu.vector_load %arg6[%get3A_294, %get3A_295] {strides = array<i32>} : memref<200x64xf32, #tpu.memory_space<vmem>>, vector<1x16xf32>,
      %get3A_297 = vector.shape_cast %get3A_296 : vector<1x16xf32> to vector<16xf32>
      %add3A_298 = arith.addf %add3A_276, %get3A_297 : vector<16xf32>
      %scan3A_299 = arith.constant 2 : i32
      %scan3A_300 = arith.addi %scan3A_253, %scan3A_299 : i32
      %get3A_301 = arith.index_cast %scan3A_300 : i32 to index
      %get3A_302 = arith.constant 0 : index
      %get3A_303 = tpu.vector_load %arg6[%get3A_301, %get3A_302] {strides = array<i32>} : memref<200x64xf32, #tpu.memory_space<vmem>>, vector<1x16xf32>,
      %get3A_304 = vector.shape_cast %get3A_303 : vector<1x16xf32> to vector<16xf32>
      %add3A_305 = arith.addf %add3A_283, %get3A_304 : vector<16xf32>
      %get3A_306 = arith.index_cast %scan3A_300 : i32 to index
      %get3A_307 = arith.constant 16 : index
      %get3A_308 = tpu.vector_load %arg6[%get3A_306, %get3A_307] {strides = array<i32>} : memref<200x64xf32, #tpu.memory_space<vmem>>, vector<1x16xf32>,
      %get3A_309 = vector.shape_cast %get3A_308 : vector<1x16xf32> to vector<16xf32>
      %add3A_310 = arith.addf %add3A_288, %get3A_309 : vector<16xf32>
      %get3A_311 = arith.index_cast %scan3A_300 : i32 to index
      %get3A_312 = arith.constant 32 : index
      %get3A_313 = tpu.vector_load %arg6[%get3A_311, %get3A_312] {strides = array<i32>} : memref<200x64xf32, #tpu.memory_space<vmem>>, vector<1x16xf32>,
      %get3A_314 = vector.shape_cast %get3A_313 : vector<1x16xf32> to vector<16xf32>
      %add3A_315 = arith.addf %add3A_293, %get3A_314 : vector<16xf32>
      %get3A_316 = arith.index_cast %scan3A_300 : i32 to index
      %get3A_317 = arith.constant 48 : index
      %get3A_318 = tpu.vector_load %arg6[%get3A_316, %get3A_317] {strides = array<i32>} : memref<200x64xf32, #tpu.memory_space<vmem>>, vector<1x16xf32>,
      %get3A_319 = vector.shape_cast %get3A_318 : vector<1x16xf32> to vector<16xf32>
      %add3A_320 = arith.addf %add3A_298, %get3A_319 : vector<16xf32>
      %scan3A_321 = arith.constant 3 : i32
      %scan3A_322 = arith.addi %scan3A_253, %scan3A_321 : i32
      %get3A_323 = arith.index_cast %scan3A_322 : i32 to index
      %get3A_324 = arith.constant 0 : index
      %get3A_325 = tpu.vector_load %arg6[%get3A_323, %get3A_324] {strides = array<i32>} : memref<200x64xf32, #tpu.memory_space<vmem>>, vector<1x16xf32>,
      %get3A_326 = vector.shape_cast %get3A_325 : vector<1x16xf32> to vector<16xf32>
      %add3A_327 = arith.addf %add3A_305, %get3A_326 : vector<16xf32>
      %get3A_328 = arith.index_cast %scan3A_322 : i32 to index
      %get3A_329 = arith.constant 16 : index
      %get3A_330 = tpu.vector_load %arg6[%get3A_328, %get3A_329] {strides = array<i32>} : memref<200x64xf32, #tpu.memory_space<vmem>>, vector<1x16xf32>,
      %get3A_331 = vector.shape_cast %get3A_330 : vector<1x16xf32> to vector<16xf32>
      %add3A_332 = arith.addf %add3A_310, %get3A_331 : vector<16xf32>
      %get3A_333 = arith.index_cast %scan3A_322 : i32 to index
      %get3A_334 = arith.constant 32 : index
      %get3A_335 = tpu.vector_load %arg6[%get3A_333, %get3A_334] {strides = array<i32>} : memref<200x64xf32, #tpu.memory_space<vmem>>, vector<1x16xf32>,
      %get3A_336 = vector.shape_cast %get3A_335 : vector<1x16xf32> to vector<16xf32>
      %add3A_337 = arith.addf %add3A_315, %get3A_336 : vector<16xf32>
      %get3A_338 = arith.index_cast %scan3A_322 : i32 to index
      %get3A_339 = arith.constant 48 : index
      %get3A_340 = tpu.vector_load %arg6[%get3A_338, %get3A_339] {strides = array<i32>} : memref<200x64xf32, #tpu.memory_space<vmem>>, vector<1x16xf32>,
      %get3A_341 = vector.shape_cast %get3A_340 : vector<1x16xf32> to vector<16xf32>
      %add3A_342 = arith.addf %add3A_320, %get3A_341 : vector<16xf32>
      scf.yield %add3A_327, %add3A_332, %add3A_337, %add3A_342 : vector<16xf32>, vector<16xf32>, vector<16xf32>, vector<16xf32>
    }
    %scan3A_97 = arith.constant 200 : i32
    %swap3A = arith.constant 124 : i32
    %swap3A_98 = arith.index_cast %swap3A : i32 to index
    %swap3A_99 = arith.constant 0 : index
    %swap3A_100 = tpu.vector_load %arg10[%swap3A_98, %swap3A_99] {strides = array<i32>} : memref<128x64xf32, #tpu.memory_space<vmem>>, vector<1x16xf32>,
    %swap3A_101 = vector.shape_cast %swap3A_100 : vector<1x16xf32> to vector<16xf32>
    %swap3A_102 = vector.shape_cast %scan3A_96#0 : vector<16xf32> to vector<1x16xf32>
    tpu.vector_store %arg10[%swap3A_98, %swap3A_99], %swap3A_102 {strides = array<i32>} : memref<128x64xf32, #tpu.memory_space<vmem>>, vector<1x16xf32>,
    %swap3A_103 = arith.constant 124 : i32
    %swap3A_104 = arith.index_cast %swap3A_103 : i32 to index
    %swap3A_105 = arith.constant 16 : index
    %swap3A_106 = tpu.vector_load %arg10[%swap3A_104, %swap3A_105] {strides = array<i32>} : memref<128x64xf32, #tpu.memory_space<vmem>>, vector<1x16xf32>,
    %swap3A_107 = vector.shape_cast %swap3A_106 : vector<1x16xf32> to vector<16xf32>
    %swap3A_108 = vector.shape_cast %scan3A_96#1 : vector<16xf32> to vector<1x16xf32>
    tpu.vector_store %arg10[%swap3A_104, %swap3A_105], %swap3A_108 {strides = array<i32>} : memref<128x64xf32, #tpu.memory_space<vmem>>, vector<1x16xf32>,
    %swap3A_109 = arith.constant 124 : i32
    %swap3A_110 = arith.index_cast %swap3A_109 : i32 to index
    %swap3A_111 = arith.constant 32 : index
    %swap3A_112 = tpu.vector_load %arg10[%swap3A_110, %swap3A_111] {strides = array<i32>} : memref<128x64xf32, #tpu.memory_space<vmem>>, vector<1x16xf32>,
    %swap3A_113 = vector.shape_cast %swap3A_112 : vector<1x16xf32> to vector<16xf32>
    %swap3A_114 = vector.shape_cast %scan3A_96#2 : vector<16xf32> to vector<1x16xf32>
    tpu.vector_store %arg10[%swap3A_110, %swap3A_111], %swap3A_114 {strides = array<i32>} : memref<128x64xf32, #tpu.memory_space<vmem>>, vector<1x16xf32>,
    %swap3A_115 = arith.constant 124 : i32
    %swap3A_116 = arith.index_cast %swap3A_115 : i32 to index
    %swap3A_117 = arith.constant 48 : index
    %swap3A_118 = tpu.vector_load %arg10[%swap3A_116, %swap3A_117] {strides = array<i32>} : memref<128x64xf32, #tpu.memory_space<vmem>>, vector<1x16xf32>,
    %swap3A_119 = vector.shape_cast %swap3A_118 : vector<1x16xf32> to vector<16xf32>
    %swap3A_120 = vector.shape_cast %scan3A_96#3 : vector<16xf32> to vector<1x16xf32>
    tpu.vector_store %arg10[%swap3A_116, %swap3A_117], %swap3A_120 {strides = array<i32>} : memref<128x64xf32, #tpu.memory_space<vmem>>, vector<1x16xf32>,
    %dma_wait3A_121 = arith.constant 0 : i32
    %dma_wait3A_122 = arith.constant 0 : i32
    %dma_wait3A_123 = tpu.memref_slice %arg3[%dma_wait3A_121, %dma_wait3A_122] : memref<2000000x64xf32, #tpu.memory_space<hbm>> -> memref<200x64xf32, #tpu.memory_space<hbm>>
    %dma_wait3A_124 = arith.constant 0 : i32
    %dma_wait3A_125 = arith.constant 0 : i32
    %dma_wait3A_126 = tpu.memref_slice %arg3[%dma_wait3A_124, %dma_wait3A_125] : memref<2000000x64xf32, #tpu.memory_space<hbm>> -> memref<200x64xf32, #tpu.memory_space<hbm>>
    tpu.wait_dma2 semaphore(%arg12 : memref<!tpu.dma_semaphore, #tpu.memory_space<semaphore_mem>>) src(%dma_wait3A_126 : memref<200x64xf32, #tpu.memory_space<hbm>>) dst(%arg7 : memref<200x64xf32, #tpu.memory_space<vmem>>)
    %broadcast_in_dim3A_127 = arith.constant 0.000000e+00 : f32
    %broadcast_in_dim3A_128 = vector.broadcast %broadcast_in_dim3A_127 : f32 to vector<16xf32>
    %broadcast_in_dim3A_129 = arith.constant 0.000000e+00 : f32
    %broadcast_in_dim3A_130 = vector.broadcast %broadcast_in_dim3A_129 : f32 to vector<16xf32>
    %broadcast_in_dim3A_131 = arith.constant 0.000000e+00 : f32
    %broadcast_in_dim3A_132 = vector.broadcast %broadcast_in_dim3A_131 : f32 to vector<16xf32>
    %broadcast_in_dim3A_133 = arith.constant 0.000000e+00 : f32
    %broadcast_in_dim3A_134 = vector.broadcast %broadcast_in_dim3A_133 : f32 to vector<16xf32>
    %scan3A_135 = arith.constant 0 : i32
    %scan3A_136 = arith.constant 200 : i32
    %scan3A_137 = arith.addi %scan3A_135, %scan3A_136 : i32
    %scan3A_138 = arith.constant 4 : i32
    %scan3A_139:4 = scf.for %scan3A_253 = %scan3A_135 to %scan3A_137 step %scan3A_138 iter_args(%scan3A_254 = %broadcast_in_dim3A_128, %scan3A_255 = %broadcast_in_dim3A_130, %scan3A_256 = %broadcast_in_dim3A_132, %scan3A_257 = %broadcast_in_dim3A_134) -> (vector<16xf32>, vector<16xf32>, vector<16xf32>, vector<16xf32>)  : i32 {
      %get3A = arith.index_cast %scan3A_253 : i32 to index
      %get3A_258 = arith.constant 0 : index
      %get3A_259 = tpu.vector_load %arg7[%get3A, %get3A_258] {strides = array<i32>} : memref<200x64xf32, #tpu.memory_space<vmem>>, vector<1x16xf32>,
      %get3A_260 = vector.shape_cast %get3A_259 : vector<1x16xf32> to vector<16xf32>
      %add3A_261 = arith.addf %scan3A_254, %get3A_260 : vector<16xf32>
      %get3A_262 = arith.index_cast %scan3A_253 : i32 to index
      %get3A_263 = arith.constant 16 : index
      %get3A_264 = tpu.vector_load %arg7[%get3A_262, %get3A_263] {strides = array<i32>} : memref<200x64xf32, #tpu.memory_space<vmem>>, vector<1x16xf32>,
      %get3A_265 = vector.shape_cast %get3A_264 : vector<1x16xf32> to vector<16xf32>
      %add3A_266 = arith.addf %scan3A_255, %get3A_265 : vector<16xf32>
      %get3A_267 = arith.index_cast %scan3A_253 : i32 to index
      %get3A_268 = arith.constant 32 : index
      %get3A_269 = tpu.vector_load %arg7[%get3A_267, %get3A_268] {strides = array<i32>} : memref<200x64xf32, #tpu.memory_space<vmem>>, vector<1x16xf32>,
      %get3A_270 = vector.shape_cast %get3A_269 : vector<1x16xf32> to vector<16xf32>
      %add3A_271 = arith.addf %scan3A_256, %get3A_270 : vector<16xf32>
      %get3A_272 = arith.index_cast %scan3A_253 : i32 to index
      %get3A_273 = arith.constant 48 : index
      %get3A_274 = tpu.vector_load %arg7[%get3A_272, %get3A_273] {strides = array<i32>} : memref<200x64xf32, #tpu.memory_space<vmem>>, vector<1x16xf32>,
      %get3A_275 = vector.shape_cast %get3A_274 : vector<1x16xf32> to vector<16xf32>
      %add3A_276 = arith.addf %scan3A_257, %get3A_275 : vector<16xf32>
      %scan3A_277 = arith.constant 1 : i32
      %scan3A_278 = arith.addi %scan3A_253, %scan3A_277 : i32
      %get3A_279 = arith.index_cast %scan3A_278 : i32 to index
      %get3A_280 = arith.constant 0 : index
      %get3A_281 = tpu.vector_load %arg7[%get3A_279, %get3A_280] {strides = array<i32>} : memref<200x64xf32, #tpu.memory_space<vmem>>, vector<1x16xf32>,
      %get3A_282 = vector.shape_cast %get3A_281 : vector<1x16xf32> to vector<16xf32>
      %add3A_283 = arith.addf %add3A_261, %get3A_282 : vector<16xf32>
      %get3A_284 = arith.index_cast %scan3A_278 : i32 to index
      %get3A_285 = arith.constant 16 : index
      %get3A_286 = tpu.vector_load %arg7[%get3A_284, %get3A_285] {strides = array<i32>} : memref<200x64xf32, #tpu.memory_space<vmem>>, vector<1x16xf32>,
      %get3A_287 = vector.shape_cast %get3A_286 : vector<1x16xf32> to vector<16xf32>
      %add3A_288 = arith.addf %add3A_266, %get3A_287 : vector<16xf32>
      %get3A_289 = arith.index_cast %scan3A_278 : i32 to index
      %get3A_290 = arith.constant 32 : index
      %get3A_291 = tpu.vector_load %arg7[%get3A_289, %get3A_290] {strides = array<i32>} : memref<200x64xf32, #tpu.memory_space<vmem>>, vector<1x16xf32>,
      %get3A_292 = vector.shape_cast %get3A_291 : vector<1x16xf32> to vector<16xf32>
      %add3A_293 = arith.addf %add3A_271, %get3A_292 : vector<16xf32>
      %get3A_294 = arith.index_cast %scan3A_278 : i32 to index
      %get3A_295 = arith.constant 48 : index
      %get3A_296 = tpu.vector_load %arg7[%get3A_294, %get3A_295] {strides = array<i32>} : memref<200x64xf32, #tpu.memory_space<vmem>>, vector<1x16xf32>,
      %get3A_297 = vector.shape_cast %get3A_296 : vector<1x16xf32> to vector<16xf32>
      %add3A_298 = arith.addf %add3A_276, %get3A_297 : vector<16xf32>
      %scan3A_299 = arith.constant 2 : i32
      %scan3A_300 = arith.addi %scan3A_253, %scan3A_299 : i32
      %get3A_301 = arith.index_cast %scan3A_300 : i32 to index
      %get3A_302 = arith.constant 0 : index
      %get3A_303 = tpu.vector_load %arg7[%get3A_301, %get3A_302] {strides = array<i32>} : memref<200x64xf32, #tpu.memory_space<vmem>>, vector<1x16xf32>,
      %get3A_304 = vector.shape_cast %get3A_303 : vector<1x16xf32> to vector<16xf32>
      %add3A_305 = arith.addf %add3A_283, %get3A_304 : vector<16xf32>
      %get3A_306 = arith.index_cast %scan3A_300 : i32 to index
      %get3A_307 = arith.constant 16 : index
      %get3A_308 = tpu.vector_load %arg7[%get3A_306, %get3A_307] {strides = array<i32>} : memref<200x64xf32, #tpu.memory_space<vmem>>, vector<1x16xf32>,
      %get3A_309 = vector.shape_cast %get3A_308 : vector<1x16xf32> to vector<16xf32>
      %add3A_310 = arith.addf %add3A_288, %get3A_309 : vector<16xf32>
      %get3A_311 = arith.index_cast %scan3A_300 : i32 to index
      %get3A_312 = arith.constant 32 : index
      %get3A_313 = tpu.vector_load %arg7[%get3A_311, %get3A_312] {strides = array<i32>} : memref<200x64xf32, #tpu.memory_space<vmem>>, vector<1x16xf32>,
      %get3A_314 = vector.shape_cast %get3A_313 : vector<1x16xf32> to vector<16xf32>
      %add3A_315 = arith.addf %add3A_293, %get3A_314 : vector<16xf32>
      %get3A_316 = arith.index_cast %scan3A_300 : i32 to index
      %get3A_317 = arith.constant 48 : index
      %get3A_318 = tpu.vector_load %arg7[%get3A_316, %get3A_317] {strides = array<i32>} : memref<200x64xf32, #tpu.memory_space<vmem>>, vector<1x16xf32>,
      %get3A_319 = vector.shape_cast %get3A_318 : vector<1x16xf32> to vector<16xf32>
      %add3A_320 = arith.addf %add3A_298, %get3A_319 : vector<16xf32>
      %scan3A_321 = arith.constant 3 : i32
      %scan3A_322 = arith.addi %scan3A_253, %scan3A_321 : i32
      %get3A_323 = arith.index_cast %scan3A_322 : i32 to index
      %get3A_324 = arith.constant 0 : index
      %get3A_325 = tpu.vector_load %arg7[%get3A_323, %get3A_324] {strides = array<i32>} : memref<200x64xf32, #tpu.memory_space<vmem>>, vector<1x16xf32>,
      %get3A_326 = vector.shape_cast %get3A_325 : vector<1x16xf32> to vector<16xf32>
      %add3A_327 = arith.addf %add3A_305, %get3A_326 : vector<16xf32>
      %get3A_328 = arith.index_cast %scan3A_322 : i32 to index
      %get3A_329 = arith.constant 16 : index
      %get3A_330 = tpu.vector_load %arg7[%get3A_328, %get3A_329] {strides = array<i32>} : memref<200x64xf32, #tpu.memory_space<vmem>>, vector<1x16xf32>,
      %get3A_331 = vector.shape_cast %get3A_330 : vector<1x16xf32> to vector<16xf32>
      %add3A_332 = arith.addf %add3A_310, %get3A_331 : vector<16xf32>
      %get3A_333 = arith.index_cast %scan3A_322 : i32 to index
      %get3A_334 = arith.constant 32 : index
      %get3A_335 = tpu.vector_load %arg7[%get3A_333, %get3A_334] {strides = array<i32>} : memref<200x64xf32, #tpu.memory_space<vmem>>, vector<1x16xf32>,
      %get3A_336 = vector.shape_cast %get3A_335 : vector<1x16xf32> to vector<16xf32>
      %add3A_337 = arith.addf %add3A_315, %get3A_336 : vector<16xf32>
      %get3A_338 = arith.index_cast %scan3A_322 : i32 to index
      %get3A_339 = arith.constant 48 : index
      %get3A_340 = tpu.vector_load %arg7[%get3A_338, %get3A_339] {strides = array<i32>} : memref<200x64xf32, #tpu.memory_space<vmem>>, vector<1x16xf32>,
      %get3A_341 = vector.shape_cast %get3A_340 : vector<1x16xf32> to vector<16xf32>
      %add3A_342 = arith.addf %add3A_320, %get3A_341 : vector<16xf32>
      scf.yield %add3A_327, %add3A_332, %add3A_337, %add3A_342 : vector<16xf32>, vector<16xf32>, vector<16xf32>, vector<16xf32>
    }
    %scan3A_140 = arith.constant 200 : i32
    %swap3A_141 = arith.constant 125 : i32
    %swap3A_142 = arith.index_cast %swap3A_141 : i32 to index
    %swap3A_143 = arith.constant 0 : index
    %swap3A_144 = tpu.vector_load %arg10[%swap3A_142, %swap3A_143] {strides = array<i32>} : memref<128x64xf32, #tpu.memory_space<vmem>>, vector<1x16xf32>,
    %swap3A_145 = vector.shape_cast %swap3A_144 : vector<1x16xf32> to vector<16xf32>
    %swap3A_146 = vector.shape_cast %scan3A_139#0 : vector<16xf32> to vector<1x16xf32>
    tpu.vector_store %arg10[%swap3A_142, %swap3A_143], %swap3A_146 {strides = array<i32>} : memref<128x64xf32, #tpu.memory_space<vmem>>, vector<1x16xf32>,
    %swap3A_147 = arith.constant 125 : i32
    %swap3A_148 = arith.index_cast %swap3A_147 : i32 to index
    %swap3A_149 = arith.constant 16 : index
    %swap3A_150 = tpu.vector_load %arg10[%swap3A_148, %swap3A_149] {strides = array<i32>} : memref<128x64xf32, #tpu.memory_space<vmem>>, vector<1x16xf32>,
    %swap3A_151 = vector.shape_cast %swap3A_150 : vector<1x16xf32> to vector<16xf32>
    %swap3A_152 = vector.shape_cast %scan3A_139#1 : vector<16xf32> to vector<1x16xf32>
    tpu.vector_store %arg10[%swap3A_148, %swap3A_149], %swap3A_152 {strides = array<i32>} : memref<128x64xf32, #tpu.memory_space<vmem>>, vector<1x16xf32>,
    %swap3A_153 = arith.constant 125 : i32
    %swap3A_154 = arith.index_cast %swap3A_153 : i32 to index
    %swap3A_155 = arith.constant 32 : index
    %swap3A_156 = tpu.vector_load %arg10[%swap3A_154, %swap3A_155] {strides = array<i32>} : memref<128x64xf32, #tpu.memory_space<vmem>>, vector<1x16xf32>,
    %swap3A_157 = vector.shape_cast %swap3A_156 : vector<1x16xf32> to vector<16xf32>
    %swap3A_158 = vector.shape_cast %scan3A_139#2 : vector<16xf32> to vector<1x16xf32>
    tpu.vector_store %arg10[%swap3A_154, %swap3A_155], %swap3A_158 {strides = array<i32>} : memref<128x64xf32, #tpu.memory_space<vmem>>, vector<1x16xf32>,
    %swap3A_159 = arith.constant 125 : i32
    %swap3A_160 = arith.index_cast %swap3A_159 : i32 to index
    %swap3A_161 = arith.constant 48 : index
    %swap3A_162 = tpu.vector_load %arg10[%swap3A_160, %swap3A_161] {strides = array<i32>} : memref<128x64xf32, #tpu.memory_space<vmem>>, vector<1x16xf32>,
    %swap3A_163 = vector.shape_cast %swap3A_162 : vector<1x16xf32> to vector<16xf32>
    %swap3A_164 = vector.shape_cast %scan3A_139#3 : vector<16xf32> to vector<1x16xf32>
    tpu.vector_store %arg10[%swap3A_160, %swap3A_161], %swap3A_164 {strides = array<i32>} : memref<128x64xf32, #tpu.memory_space<vmem>>, vector<1x16xf32>,
    %dma_wait3A_165 = arith.constant 0 : i32
    %dma_wait3A_166 = arith.constant 0 : i32
    %dma_wait3A_167 = tpu.memref_slice %arg3[%dma_wait3A_165, %dma_wait3A_166] : memref<2000000x64xf32, #tpu.memory_space<hbm>> -> memref<200x64xf32, #tpu.memory_space<hbm>>
    %dma_wait3A_168 = arith.constant 0 : i32
    %dma_wait3A_169 = arith.constant 0 : i32
    %dma_wait3A_170 = tpu.memref_slice %arg3[%dma_wait3A_168, %dma_wait3A_169] : memref<2000000x64xf32, #tpu.memory_space<hbm>> -> memref<200x64xf32, #tpu.memory_space<hbm>>
    tpu.wait_dma2 semaphore(%arg13 : memref<!tpu.dma_semaphore, #tpu.memory_space<semaphore_mem>>) src(%dma_wait3A_170 : memref<200x64xf32, #tpu.memory_space<hbm>>) dst(%arg8 : memref<200x64xf32, #tpu.memory_space<vmem>>)
    %broadcast_in_dim3A_171 = arith.constant 0.000000e+00 : f32
    %broadcast_in_dim3A_172 = vector.broadcast %broadcast_in_dim3A_171 : f32 to vector<16xf32>
    %broadcast_in_dim3A_173 = arith.constant 0.000000e+00 : f32
    %broadcast_in_dim3A_174 = vector.broadcast %broadcast_in_dim3A_173 : f32 to vector<16xf32>
    %broadcast_in_dim3A_175 = arith.constant 0.000000e+00 : f32
    %broadcast_in_dim3A_176 = vector.broadcast %broadcast_in_dim3A_175 : f32 to vector<16xf32>
    %broadcast_in_dim3A_177 = arith.constant 0.000000e+00 : f32
    %broadcast_in_dim3A_178 = vector.broadcast %broadcast_in_dim3A_177 : f32 to vector<16xf32>
    %scan3A_179 = arith.constant 0 : i32
    %scan3A_180 = arith.constant 200 : i32
    %scan3A_181 = arith.addi %scan3A_179, %scan3A_180 : i32
    %scan3A_182 = arith.constant 4 : i32
    %scan3A_183:4 = scf.for %scan3A_253 = %scan3A_179 to %scan3A_181 step %scan3A_182 iter_args(%scan3A_254 = %broadcast_in_dim3A_172, %scan3A_255 = %broadcast_in_dim3A_174, %scan3A_256 = %broadcast_in_dim3A_176, %scan3A_257 = %broadcast_in_dim3A_178) -> (vector<16xf32>, vector<16xf32>, vector<16xf32>, vector<16xf32>)  : i32 {
      %get3A = arith.index_cast %scan3A_253 : i32 to index
      %get3A_258 = arith.constant 0 : index
      %get3A_259 = tpu.vector_load %arg8[%get3A, %get3A_258] {strides = array<i32>} : memref<200x64xf32, #tpu.memory_space<vmem>>, vector<1x16xf32>,
      %get3A_260 = vector.shape_cast %get3A_259 : vector<1x16xf32> to vector<16xf32>
      %add3A_261 = arith.addf %scan3A_254, %get3A_260 : vector<16xf32>
      %get3A_262 = arith.index_cast %scan3A_253 : i32 to index
      %get3A_263 = arith.constant 16 : index
      %get3A_264 = tpu.vector_load %arg8[%get3A_262, %get3A_263] {strides = array<i32>} : memref<200x64xf32, #tpu.memory_space<vmem>>, vector<1x16xf32>,
      %get3A_265 = vector.shape_cast %get3A_264 : vector<1x16xf32> to vector<16xf32>
      %add3A_266 = arith.addf %scan3A_255, %get3A_265 : vector<16xf32>
      %get3A_267 = arith.index_cast %scan3A_253 : i32 to index
      %get3A_268 = arith.constant 32 : index
      %get3A_269 = tpu.vector_load %arg8[%get3A_267, %get3A_268] {strides = array<i32>} : memref<200x64xf32, #tpu.memory_space<vmem>>, vector<1x16xf32>,
      %get3A_270 = vector.shape_cast %get3A_269 : vector<1x16xf32> to vector<16xf32>
      %add3A_271 = arith.addf %scan3A_256, %get3A_270 : vector<16xf32>
      %get3A_272 = arith.index_cast %scan3A_253 : i32 to index
      %get3A_273 = arith.constant 48 : index
      %get3A_274 = tpu.vector_load %arg8[%get3A_272, %get3A_273] {strides = array<i32>} : memref<200x64xf32, #tpu.memory_space<vmem>>, vector<1x16xf32>,
      %get3A_275 = vector.shape_cast %get3A_274 : vector<1x16xf32> to vector<16xf32>
      %add3A_276 = arith.addf %scan3A_257, %get3A_275 : vector<16xf32>
      %scan3A_277 = arith.constant 1 : i32
      %scan3A_278 = arith.addi %scan3A_253, %scan3A_277 : i32
      %get3A_279 = arith.index_cast %scan3A_278 : i32 to index
      %get3A_280 = arith.constant 0 : index
      %get3A_281 = tpu.vector_load %arg8[%get3A_279, %get3A_280] {strides = array<i32>} : memref<200x64xf32, #tpu.memory_space<vmem>>, vector<1x16xf32>,
      %get3A_282 = vector.shape_cast %get3A_281 : vector<1x16xf32> to vector<16xf32>
      %add3A_283 = arith.addf %add3A_261, %get3A_282 : vector<16xf32>
      %get3A_284 = arith.index_cast %scan3A_278 : i32 to index
      %get3A_285 = arith.constant 16 : index
      %get3A_286 = tpu.vector_load %arg8[%get3A_284, %get3A_285] {strides = array<i32>} : memref<200x64xf32, #tpu.memory_space<vmem>>, vector<1x16xf32>,
      %get3A_287 = vector.shape_cast %get3A_286 : vector<1x16xf32> to vector<16xf32>
      %add3A_288 = arith.addf %add3A_266, %get3A_287 : vector<16xf32>
      %get3A_289 = arith.index_cast %scan3A_278 : i32 to index
      %get3A_290 = arith.constant 32 : index
      %get3A_291 = tpu.vector_load %arg8[%get3A_289, %get3A_290] {strides = array<i32>} : memref<200x64xf32, #tpu.memory_space<vmem>>, vector<1x16xf32>,
      %get3A_292 = vector.shape_cast %get3A_291 : vector<1x16xf32> to vector<16xf32>
      %add3A_293 = arith.addf %add3A_271, %get3A_292 : vector<16xf32>
      %get3A_294 = arith.index_cast %scan3A_278 : i32 to index
      %get3A_295 = arith.constant 48 : index
      %get3A_296 = tpu.vector_load %arg8[%get3A_294, %get3A_295] {strides = array<i32>} : memref<200x64xf32, #tpu.memory_space<vmem>>, vector<1x16xf32>,
      %get3A_297 = vector.shape_cast %get3A_296 : vector<1x16xf32> to vector<16xf32>
      %add3A_298 = arith.addf %add3A_276, %get3A_297 : vector<16xf32>
      %scan3A_299 = arith.constant 2 : i32
      %scan3A_300 = arith.addi %scan3A_253, %scan3A_299 : i32
      %get3A_301 = arith.index_cast %scan3A_300 : i32 to index
      %get3A_302 = arith.constant 0 : index
      %get3A_303 = tpu.vector_load %arg8[%get3A_301, %get3A_302] {strides = array<i32>} : memref<200x64xf32, #tpu.memory_space<vmem>>, vector<1x16xf32>,
      %get3A_304 = vector.shape_cast %get3A_303 : vector<1x16xf32> to vector<16xf32>
      %add3A_305 = arith.addf %add3A_283, %get3A_304 : vector<16xf32>
      %get3A_306 = arith.index_cast %scan3A_300 : i32 to index
      %get3A_307 = arith.constant 16 : index
      %get3A_308 = tpu.vector_load %arg8[%get3A_306, %get3A_307] {strides = array<i32>} : memref<200x64xf32, #tpu.memory_space<vmem>>, vector<1x16xf32>,
      %get3A_309 = vector.shape_cast %get3A_308 : vector<1x16xf32> to vector<16xf32>
      %add3A_310 = arith.addf %add3A_288, %get3A_309 : vector<16xf32>
      %get3A_311 = arith.index_cast %scan3A_300 : i32 to index
      %get3A_312 = arith.constant 32 : index
      %get3A_313 = tpu.vector_load %arg8[%get3A_311, %get3A_312] {strides = array<i32>} : memref<200x64xf32, #tpu.memory_space<vmem>>, vector<1x16xf32>,
      %get3A_314 = vector.shape_cast %get3A_313 : vector<1x16xf32> to vector<16xf32>
      %add3A_315 = arith.addf %add3A_293, %get3A_314 : vector<16xf32>
      %get3A_316 = arith.index_cast %scan3A_300 : i32 to index
      %get3A_317 = arith.constant 48 : index
      %get3A_318 = tpu.vector_load %arg8[%get3A_316, %get3A_317] {strides = array<i32>} : memref<200x64xf32, #tpu.memory_space<vmem>>, vector<1x16xf32>,
      %get3A_319 = vector.shape_cast %get3A_318 : vector<1x16xf32> to vector<16xf32>
      %add3A_320 = arith.addf %add3A_298, %get3A_319 : vector<16xf32>
      %scan3A_321 = arith.constant 3 : i32
      %scan3A_322 = arith.addi %scan3A_253, %scan3A_321 : i32
      %get3A_323 = arith.index_cast %scan3A_322 : i32 to index
      %get3A_324 = arith.constant 0 : index
      %get3A_325 = tpu.vector_load %arg8[%get3A_323, %get3A_324] {strides = array<i32>} : memref<200x64xf32, #tpu.memory_space<vmem>>, vector<1x16xf32>,
      %get3A_326 = vector.shape_cast %get3A_325 : vector<1x16xf32> to vector<16xf32>
      %add3A_327 = arith.addf %add3A_305, %get3A_326 : vector<16xf32>
      %get3A_328 = arith.index_cast %scan3A_322 : i32 to index
      %get3A_329 = arith.constant 16 : index
      %get3A_330 = tpu.vector_load %arg8[%get3A_328, %get3A_329] {strides = array<i32>} : memref<200x64xf32, #tpu.memory_space<vmem>>, vector<1x16xf32>,
      %get3A_331 = vector.shape_cast %get3A_330 : vector<1x16xf32> to vector<16xf32>
      %add3A_332 = arith.addf %add3A_310, %get3A_331 : vector<16xf32>
      %get3A_333 = arith.index_cast %scan3A_322 : i32 to index
      %get3A_334 = arith.constant 32 : index
      %get3A_335 = tpu.vector_load %arg8[%get3A_333, %get3A_334] {strides = array<i32>} : memref<200x64xf32, #tpu.memory_space<vmem>>, vector<1x16xf32>,
      %get3A_336 = vector.shape_cast %get3A_335 : vector<1x16xf32> to vector<16xf32>
      %add3A_337 = arith.addf %add3A_315, %get3A_336 : vector<16xf32>
      %get3A_338 = arith.index_cast %scan3A_322 : i32 to index
      %get3A_339 = arith.constant 48 : index
      %get3A_340 = tpu.vector_load %arg8[%get3A_338, %get3A_339] {strides = array<i32>} : memref<200x64xf32, #tpu.memory_space<vmem>>, vector<1x16xf32>,
      %get3A_341 = vector.shape_cast %get3A_340 : vector<1x16xf32> to vector<16xf32>
      %add3A_342 = arith.addf %add3A_320, %get3A_341 : vector<16xf32>
      scf.yield %add3A_327, %add3A_332, %add3A_337, %add3A_342 : vector<16xf32>, vector<16xf32>, vector<16xf32>, vector<16xf32>
    }
    %scan3A_184 = arith.constant 200 : i32
    %swap3A_185 = arith.constant 126 : i32
    %swap3A_186 = arith.index_cast %swap3A_185 : i32 to index
    %swap3A_187 = arith.constant 0 : index
    %swap3A_188 = tpu.vector_load %arg10[%swap3A_186, %swap3A_187] {strides = array<i32>} : memref<128x64xf32, #tpu.memory_space<vmem>>, vector<1x16xf32>,
    %swap3A_189 = vector.shape_cast %swap3A_188 : vector<1x16xf32> to vector<16xf32>
    %swap3A_190 = vector.shape_cast %scan3A_183#0 : vector<16xf32> to vector<1x16xf32>
    tpu.vector_store %arg10[%swap3A_186, %swap3A_187], %swap3A_190 {strides = array<i32>} : memref<128x64xf32, #tpu.memory_space<vmem>>, vector<1x16xf32>,
    %swap3A_191 = arith.constant 126 : i32
    %swap3A_192 = arith.index_cast %swap3A_191 : i32 to index
    %swap3A_193 = arith.constant 16 : index
    %swap3A_194 = tpu.vector_load %arg10[%swap3A_192, %swap3A_193] {strides = array<i32>} : memref<128x64xf32, #tpu.memory_space<vmem>>, vector<1x16xf32>,
    %swap3A_195 = vector.shape_cast %swap3A_194 : vector<1x16xf32> to vector<16xf32>
    %swap3A_196 = vector.shape_cast %scan3A_183#1 : vector<16xf32> to vector<1x16xf32>
    tpu.vector_store %arg10[%swap3A_192, %swap3A_193], %swap3A_196 {strides = array<i32>} : memref<128x64xf32, #tpu.memory_space<vmem>>, vector<1x16xf32>,
    %swap3A_197 = arith.constant 126 : i32
    %swap3A_198 = arith.index_cast %swap3A_197 : i32 to index
    %swap3A_199 = arith.constant 32 : index
    %swap3A_200 = tpu.vector_load %arg10[%swap3A_198, %swap3A_199] {strides = array<i32>} : memref<128x64xf32, #tpu.memory_space<vmem>>, vector<1x16xf32>,
    %swap3A_201 = vector.shape_cast %swap3A_200 : vector<1x16xf32> to vector<16xf32>
    %swap3A_202 = vector.shape_cast %scan3A_183#2 : vector<16xf32> to vector<1x16xf32>
    tpu.vector_store %arg10[%swap3A_198, %swap3A_199], %swap3A_202 {strides = array<i32>} : memref<128x64xf32, #tpu.memory_space<vmem>>, vector<1x16xf32>,
    %swap3A_203 = arith.constant 126 : i32
    %swap3A_204 = arith.index_cast %swap3A_203 : i32 to index
    %swap3A_205 = arith.constant 48 : index
    %swap3A_206 = tpu.vector_load %arg10[%swap3A_204, %swap3A_205] {strides = array<i32>} : memref<128x64xf32, #tpu.memory_space<vmem>>, vector<1x16xf32>,
    %swap3A_207 = vector.shape_cast %swap3A_206 : vector<1x16xf32> to vector<16xf32>
    %swap3A_208 = vector.shape_cast %scan3A_183#3 : vector<16xf32> to vector<1x16xf32>
    tpu.vector_store %arg10[%swap3A_204, %swap3A_205], %swap3A_208 {strides = array<i32>} : memref<128x64xf32, #tpu.memory_space<vmem>>, vector<1x16xf32>,
    %dma_wait3A_209 = arith.constant 0 : i32
    %dma_wait3A_210 = arith.constant 0 : i32
    %dma_wait3A_211 = tpu.memref_slice %arg3[%dma_wait3A_209, %dma_wait3A_210] : memref<2000000x64xf32, #tpu.memory_space<hbm>> -> memref<200x64xf32, #tpu.memory_space<hbm>>
    %dma_wait3A_212 = arith.constant 0 : i32
    %dma_wait3A_213 = arith.constant 0 : i32
    %dma_wait3A_214 = tpu.memref_slice %arg3[%dma_wait3A_212, %dma_wait3A_213] : memref<2000000x64xf32, #tpu.memory_space<hbm>> -> memref<200x64xf32, #tpu.memory_space<hbm>>
    tpu.wait_dma2 semaphore(%arg14 : memref<!tpu.dma_semaphore, #tpu.memory_space<semaphore_mem>>) src(%dma_wait3A_214 : memref<200x64xf32, #tpu.memory_space<hbm>>) dst(%arg9 : memref<200x64xf32, #tpu.memory_space<vmem>>)
    %broadcast_in_dim3A_215 = arith.constant 0.000000e+00 : f32
    %broadcast_in_dim3A_216 = vector.broadcast %broadcast_in_dim3A_215 : f32 to vector<16xf32>
    %broadcast_in_dim3A_217 = arith.constant 0.000000e+00 : f32
    %broadcast_in_dim3A_218 = vector.broadcast %broadcast_in_dim3A_217 : f32 to vector<16xf32>
    %broadcast_in_dim3A_219 = arith.constant 0.000000e+00 : f32
    %broadcast_in_dim3A_220 = vector.broadcast %broadcast_in_dim3A_219 : f32 to vector<16xf32>
    %broadcast_in_dim3A_221 = arith.constant 0.000000e+00 : f32
    %broadcast_in_dim3A_222 = vector.broadcast %broadcast_in_dim3A_221 : f32 to vector<16xf32>
    %scan3A_223 = arith.constant 0 : i32
    %scan3A_224 = arith.constant 200 : i32
    %scan3A_225 = arith.addi %scan3A_223, %scan3A_224 : i32
    %scan3A_226 = arith.constant 4 : i32
    %scan3A_227:4 = scf.for %scan3A_253 = %scan3A_223 to %scan3A_225 step %scan3A_226 iter_args(%scan3A_254 = %broadcast_in_dim3A_216, %scan3A_255 = %broadcast_in_dim3A_218, %scan3A_256 = %broadcast_in_dim3A_220, %scan3A_257 = %broadcast_in_dim3A_222) -> (vector<16xf32>, vector<16xf32>, vector<16xf32>, vector<16xf32>)  : i32 {
      %get3A = arith.index_cast %scan3A_253 : i32 to index
      %get3A_258 = arith.constant 0 : index
      %get3A_259 = tpu.vector_load %arg9[%get3A, %get3A_258] {strides = array<i32>} : memref<200x64xf32, #tpu.memory_space<vmem>>, vector<1x16xf32>,
      %get3A_260 = vector.shape_cast %get3A_259 : vector<1x16xf32> to vector<16xf32>
      %add3A_261 = arith.addf %scan3A_254, %get3A_260 : vector<16xf32>
      %get3A_262 = arith.index_cast %scan3A_253 : i32 to index
      %get3A_263 = arith.constant 16 : index
      %get3A_264 = tpu.vector_load %arg9[%get3A_262, %get3A_263] {strides = array<i32>} : memref<200x64xf32, #tpu.memory_space<vmem>>, vector<1x16xf32>,
      %get3A_265 = vector.shape_cast %get3A_264 : vector<1x16xf32> to vector<16xf32>
      %add3A_266 = arith.addf %scan3A_255, %get3A_265 : vector<16xf32>
      %get3A_267 = arith.index_cast %scan3A_253 : i32 to index
      %get3A_268 = arith.constant 32 : index
      %get3A_269 = tpu.vector_load %arg9[%get3A_267, %get3A_268] {strides = array<i32>} : memref<200x64xf32, #tpu.memory_space<vmem>>, vector<1x16xf32>,
      %get3A_270 = vector.shape_cast %get3A_269 : vector<1x16xf32> to vector<16xf32>
      %add3A_271 = arith.addf %scan3A_256, %get3A_270 : vector<16xf32>
      %get3A_272 = arith.index_cast %scan3A_253 : i32 to index
      %get3A_273 = arith.constant 48 : index
      %get3A_274 = tpu.vector_load %arg9[%get3A_272, %get3A_273] {strides = array<i32>} : memref<200x64xf32, #tpu.memory_space<vmem>>, vector<1x16xf32>,
      %get3A_275 = vector.shape_cast %get3A_274 : vector<1x16xf32> to vector<16xf32>
      %add3A_276 = arith.addf %scan3A_257, %get3A_275 : vector<16xf32>
      %scan3A_277 = arith.constant 1 : i32
      %scan3A_278 = arith.addi %scan3A_253, %scan3A_277 : i32
      %get3A_279 = arith.index_cast %scan3A_278 : i32 to index
      %get3A_280 = arith.constant 0 : index
      %get3A_281 = tpu.vector_load %arg9[%get3A_279, %get3A_280] {strides = array<i32>} : memref<200x64xf32, #tpu.memory_space<vmem>>, vector<1x16xf32>,
      %get3A_282 = vector.shape_cast %get3A_281 : vector<1x16xf32> to vector<16xf32>
      %add3A_283 = arith.addf %add3A_261, %get3A_282 : vector<16xf32>
      %get3A_284 = arith.index_cast %scan3A_278 : i32 to index
      %get3A_285 = arith.constant 16 : index
      %get3A_286 = tpu.vector_load %arg9[%get3A_284, %get3A_285] {strides = array<i32>} : memref<200x64xf32, #tpu.memory_space<vmem>>, vector<1x16xf32>,
      %get3A_287 = vector.shape_cast %get3A_286 : vector<1x16xf32> to vector<16xf32>
      %add3A_288 = arith.addf %add3A_266, %get3A_287 : vector<16xf32>
      %get3A_289 = arith.index_cast %scan3A_278 : i32 to index
      %get3A_290 = arith.constant 32 : index
      %get3A_291 = tpu.vector_load %arg9[%get3A_289, %get3A_290] {strides = array<i32>} : memref<200x64xf32, #tpu.memory_space<vmem>>, vector<1x16xf32>,
      %get3A_292 = vector.shape_cast %get3A_291 : vector<1x16xf32> to vector<16xf32>
      %add3A_293 = arith.addf %add3A_271, %get3A_292 : vector<16xf32>
      %get3A_294 = arith.index_cast %scan3A_278 : i32 to index
      %get3A_295 = arith.constant 48 : index
      %get3A_296 = tpu.vector_load %arg9[%get3A_294, %get3A_295] {strides = array<i32>} : memref<200x64xf32, #tpu.memory_space<vmem>>, vector<1x16xf32>,
      %get3A_297 = vector.shape_cast %get3A_296 : vector<1x16xf32> to vector<16xf32>
      %add3A_298 = arith.addf %add3A_276, %get3A_297 : vector<16xf32>
      %scan3A_299 = arith.constant 2 : i32
      %scan3A_300 = arith.addi %scan3A_253, %scan3A_299 : i32
      %get3A_301 = arith.index_cast %scan3A_300 : i32 to index
      %get3A_302 = arith.constant 0 : index
      %get3A_303 = tpu.vector_load %arg9[%get3A_301, %get3A_302] {strides = array<i32>} : memref<200x64xf32, #tpu.memory_space<vmem>>, vector<1x16xf32>,
      %get3A_304 = vector.shape_cast %get3A_303 : vector<1x16xf32> to vector<16xf32>
      %add3A_305 = arith.addf %add3A_283, %get3A_304 : vector<16xf32>
      %get3A_306 = arith.index_cast %scan3A_300 : i32 to index
      %get3A_307 = arith.constant 16 : index
      %get3A_308 = tpu.vector_load %arg9[%get3A_306, %get3A_307] {strides = array<i32>} : memref<200x64xf32, #tpu.memory_space<vmem>>, vector<1x16xf32>,
      %get3A_309 = vector.shape_cast %get3A_308 : vector<1x16xf32> to vector<16xf32>
      %add3A_310 = arith.addf %add3A_288, %get3A_309 : vector<16xf32>
      %get3A_311 = arith.index_cast %scan3A_300 : i32 to index
      %get3A_312 = arith.constant 32 : index
      %get3A_313 = tpu.vector_load %arg9[%get3A_311, %get3A_312] {strides = array<i32>} : memref<200x64xf32, #tpu.memory_space<vmem>>, vector<1x16xf32>,
      %get3A_314 = vector.shape_cast %get3A_313 : vector<1x16xf32> to vector<16xf32>
      %add3A_315 = arith.addf %add3A_293, %get3A_314 : vector<16xf32>
      %get3A_316 = arith.index_cast %scan3A_300 : i32 to index
      %get3A_317 = arith.constant 48 : index
      %get3A_318 = tpu.vector_load %arg9[%get3A_316, %get3A_317] {strides = array<i32>} : memref<200x64xf32, #tpu.memory_space<vmem>>, vector<1x16xf32>,
      %get3A_319 = vector.shape_cast %get3A_318 : vector<1x16xf32> to vector<16xf32>
      %add3A_320 = arith.addf %add3A_298, %get3A_319 : vector<16xf32>
      %scan3A_321 = arith.constant 3 : i32
      %scan3A_322 = arith.addi %scan3A_253, %scan3A_321 : i32
      %get3A_323 = arith.index_cast %scan3A_322 : i32 to index
      %get3A_324 = arith.constant 0 : index
      %get3A_325 = tpu.vector_load %arg9[%get3A_323, %get3A_324] {strides = array<i32>} : memref<200x64xf32, #tpu.memory_space<vmem>>, vector<1x16xf32>,
      %get3A_326 = vector.shape_cast %get3A_325 : vector<1x16xf32> to vector<16xf32>
      %add3A_327 = arith.addf %add3A_305, %get3A_326 : vector<16xf32>
      %get3A_328 = arith.index_cast %scan3A_322 : i32 to index
      %get3A_329 = arith.constant 16 : index
      %get3A_330 = tpu.vector_load %arg9[%get3A_328, %get3A_329] {strides = array<i32>} : memref<200x64xf32, #tpu.memory_space<vmem>>, vector<1x16xf32>,
      %get3A_331 = vector.shape_cast %get3A_330 : vector<1x16xf32> to vector<16xf32>
      %add3A_332 = arith.addf %add3A_310, %get3A_331 : vector<16xf32>
      %get3A_333 = arith.index_cast %scan3A_322 : i32 to index
      %get3A_334 = arith.constant 32 : index
      %get3A_335 = tpu.vector_load %arg9[%get3A_333, %get3A_334] {strides = array<i32>} : memref<200x64xf32, #tpu.memory_space<vmem>>, vector<1x16xf32>,
      %get3A_336 = vector.shape_cast %get3A_335 : vector<1x16xf32> to vector<16xf32>
      %add3A_337 = arith.addf %add3A_315, %get3A_336 : vector<16xf32>
      %get3A_338 = arith.index_cast %scan3A_322 : i32 to index
      %get3A_339 = arith.constant 48 : index
      %get3A_340 = tpu.vector_load %arg9[%get3A_338, %get3A_339] {strides = array<i32>} : memref<200x64xf32, #tpu.memory_space<vmem>>, vector<1x16xf32>,
      %get3A_341 = vector.shape_cast %get3A_340 : vector<1x16xf32> to vector<16xf32>
      %add3A_342 = arith.addf %add3A_320, %get3A_341 : vector<16xf32>
      scf.yield %add3A_327, %add3A_332, %add3A_337, %add3A_342 : vector<16xf32>, vector<16xf32>, vector<16xf32>, vector<16xf32>
    }
    %scan3A_228 = arith.constant 200 : i32
    %swap3A_229 = arith.constant 127 : i32
    %swap3A_230 = arith.index_cast %swap3A_229 : i32 to index
    %swap3A_231 = arith.constant 0 : index
    %swap3A_232 = tpu.vector_load %arg10[%swap3A_230, %swap3A_231] {strides = array<i32>} : memref<128x64xf32, #tpu.memory_space<vmem>>, vector<1x16xf32>,
    %swap3A_233 = vector.shape_cast %swap3A_232 : vector<1x16xf32> to vector<16xf32>
    %swap3A_234 = vector.shape_cast %scan3A_227#0 : vector<16xf32> to vector<1x16xf32>
    tpu.vector_store %arg10[%swap3A_230, %swap3A_231], %swap3A_234 {strides = array<i32>} : memref<128x64xf32, #tpu.memory_space<vmem>>, vector<1x16xf32>,
    %swap3A_235 = arith.constant 127 : i32
    %swap3A_236 = arith.index_cast %swap3A_235 : i32 to index
    %swap3A_237 = arith.constant 16 : index
    %swap3A_238 = tpu.vector_load %arg10[%swap3A_236, %swap3A_237] {strides = array<i32>} : memref<128x64xf32, #tpu.memory_space<vmem>>, vector<1x16xf32>,
    %swap3A_239 = vector.shape_cast %swap3A_238 : vector<1x16xf32> to vector<16xf32>
    %swap3A_240 = vector.shape_cast %scan3A_227#1 : vector<16xf32> to vector<1x16xf32>
    tpu.vector_store %arg10[%swap3A_236, %swap3A_237], %swap3A_240 {strides = array<i32>} : memref<128x64xf32, #tpu.memory_space<vmem>>, vector<1x16xf32>,
    %swap3A_241 = arith.constant 127 : i32
    %swap3A_242 = arith.index_cast %swap3A_241 : i32 to index
    %swap3A_243 = arith.constant 32 : index
    %swap3A_244 = tpu.vector_load %arg10[%swap3A_242, %swap3A_243] {strides = array<i32>} : memref<128x64xf32, #tpu.memory_space<vmem>>, vector<1x16xf32>,
    %swap3A_245 = vector.shape_cast %swap3A_244 : vector<1x16xf32> to vector<16xf32>
    %swap3A_246 = vector.shape_cast %scan3A_227#2 : vector<16xf32> to vector<1x16xf32>
    tpu.vector_store %arg10[%swap3A_242, %swap3A_243], %swap3A_246 {strides = array<i32>} : memref<128x64xf32, #tpu.memory_space<vmem>>, vector<1x16xf32>,
    %swap3A_247 = arith.constant 127 : i32
    %swap3A_248 = arith.index_cast %swap3A_247 : i32 to index
    %swap3A_249 = arith.constant 48 : index
    %swap3A_250 = tpu.vector_load %arg10[%swap3A_248, %swap3A_249] {strides = array<i32>} : memref<128x64xf32, #tpu.memory_space<vmem>>, vector<1x16xf32>,
    %swap3A_251 = vector.shape_cast %swap3A_250 : vector<1x16xf32> to vector<16xf32>
    %swap3A_252 = vector.shape_cast %scan3A_227#3 : vector<16xf32> to vector<1x16xf32>
    tpu.vector_store %arg10[%swap3A_248, %swap3A_249], %swap3A_252 {strides = array<i32>} : memref<128x64xf32, #tpu.memory_space<vmem>>, vector<1x16xf32>,
    "tpu.region"() ({
      %run_scoped3A = tpu.sem_alloc : memref<!tpu.dma_semaphore, #tpu.memory_space<semaphore_mem>>
      %dma_start3A_253 = arith.constant 0 : i32
      %dma_start3A_254 = tpu.memref_slice %arg4[%multiple_of3A, %dma_start3A_253] : memref<4096x64xf32, #tpu.memory_space<hbm>> -> memref<128x64xf32, #tpu.memory_space<hbm>>
      %dma_start3A_255 = arith.constant 0 : i32
      %dma_start3A_256 = tpu.memref_slice %arg4[%multiple_of3A, %dma_start3A_255] : memref<4096x64xf32, #tpu.memory_space<hbm>> -> memref<128x64xf32, #tpu.memory_space<hbm>>
      tpu.enqueue_dma source(%arg10 : memref<128x64xf32, #tpu.memory_space<vmem>>) target(%dma_start3A_256 : memref<128x64xf32, #tpu.memory_space<hbm>>) target_semaphore(%run_scoped3A : memref<!tpu.dma_semaphore, #tpu.memory_space<semaphore_mem>>)
      %dma_wait3A_257 = arith.constant 0 : i32
      %dma_wait3A_258 = tpu.memref_slice %arg4[%multiple_of3A, %dma_wait3A_257] : memref<4096x64xf32, #tpu.memory_space<hbm>> -> memref<128x64xf32, #tpu.memory_space<hbm>>
      %dma_wait3A_259 = arith.constant 0 : i32
      %dma_wait3A_260 = tpu.memref_slice %arg4[%multiple_of3A, %dma_wait3A_259] : memref<4096x64xf32, #tpu.memory_space<hbm>> -> memref<128x64xf32, #tpu.memory_space<hbm>>
      tpu.wait_dma2 semaphore(%run_scoped3A : memref<!tpu.dma_semaphore, #tpu.memory_space<semaphore_mem>>) src(%arg10 : memref<128x64xf32, #tpu.memory_space<vmem>>) dst(%dma_wait3A_260 : memref<128x64xf32, #tpu.memory_space<hbm>>)
      tpu.yield
    }) : () -> ()
    return
  }
}

module attributes {stable_mosaic.version = 14 : i64} {
  func.func @mlp_body(%arg0: memref<4096x64xf32, #tpu.memory_space<vmem>>, %arg1: memref<64x32xf32, #tpu.memory_space<vmem>>, %arg2: memref<1x32xf32, #tpu.memory_space<vmem>>, %arg3: memref<32x2xf32, #tpu.memory_space<vmem>>, %arg4: memref<1x2xf32, #tpu.memory_space<vmem>>, %arg5: memref<4096x2xf32, #tpu.memory_space<vmem>>) attributes {dimension_semantics = [], scalar_prefetch = 0 : i64, scratch_operands = 0 : i64, tpu.core_type = #tpu.core_type<tc>} {
    %get3A = arith.constant 0 : index
    %get3A_0 = arith.constant 0 : index
    %get3A_1 = vector.load %arg0[%get3A, %get3A_0] : memref<4096x64xf32, #tpu.memory_space<vmem>>, vector<4096x64xf32>
    %mul3A = arith.constant 5.000000e-03 : f32
    %mul3A_2 = vector.broadcast %mul3A : f32 to vector<4096x64xf32>
    %mul3A_3 = arith.mulf %get3A_1, %mul3A_2 : vector<4096x64xf32>
    %get3A_4 = arith.constant 0 : index
    %get3A_5 = arith.constant 0 : index
    %get3A_6 = vector.load %arg1[%get3A_4, %get3A_5] : memref<64x32xf32, #tpu.memory_space<vmem>>, vector<64x32xf32>
    %dot_general3A = arith.constant dense<0.000000e+00> : vector<4096x32xf32>
    %dot_general3A_7 = tpu.matmul %mul3A_3, %get3A_6, %dot_general3A {dimension_numbers = #tpu.dot_dimension_numbers<[1], [0], [0], [1], [0, 0, 1, 1], [], []>, transpose_lhs_hint = false} : vector<4096x64xf32>, vector<64x32xf32>, vector<4096x32xf32> -> vector<4096x32xf32>
    %get3A_8 = arith.constant 0 : index
    %get3A_9 = arith.constant 0 : index
    %get3A_10 = vector.load %arg2[%get3A_8, %get3A_9] : memref<1x32xf32, #tpu.memory_space<vmem>>, vector<1x32xf32>
    %add3A = vector.broadcast %get3A_10 : vector<1x32xf32> to vector<4096x32xf32>
    %add3A_11 = arith.addf %dot_general3A_7, %add3A : vector<4096x32xf32>
    %max3A = arith.constant 0.000000e+00 : f32
    %max3A_12 = vector.broadcast %max3A : f32 to vector<4096x32xf32>
    %max3A_13 = arith.maximumf %add3A_11, %max3A_12 : vector<4096x32xf32>
    %get3A_14 = arith.constant 0 : index
    %get3A_15 = arith.constant 0 : index
    %get3A_16 = vector.load %arg3[%get3A_14, %get3A_15] : memref<32x2xf32, #tpu.memory_space<vmem>>, vector<32x2xf32>
    %dot_general3A_17 = arith.constant dense<0.000000e+00> : vector<4096x2xf32>
    %dot_general3A_18 = tpu.matmul %max3A_13, %get3A_16, %dot_general3A_17 {dimension_numbers = #tpu.dot_dimension_numbers<[1], [0], [0], [1], [0, 0, 1, 1], [], []>, transpose_lhs_hint = false} : vector<4096x32xf32>, vector<32x2xf32>, vector<4096x2xf32> -> vector<4096x2xf32>
    %get3A_19 = arith.constant 0 : index
    %get3A_20 = arith.constant 0 : index
    %get3A_21 = vector.load %arg4[%get3A_19, %get3A_20] : memref<1x2xf32, #tpu.memory_space<vmem>>, vector<1x2xf32>
    %add3A_22 = vector.broadcast %get3A_21 : vector<1x2xf32> to vector<4096x2xf32>
    %add3A_23 = arith.addf %dot_general3A_18, %add3A_22 : vector<4096x2xf32>
    %swap3A = arith.constant 0 : index
    %swap3A_24 = arith.constant 0 : index
    %swap3A_25 = vector.load %arg5[%swap3A, %swap3A_24] : memref<4096x2xf32, #tpu.memory_space<vmem>>, vector<4096x2xf32>
    tpu.vector_store %arg5[%swap3A, %swap3A_24], %add3A_23 {strides = array<i32>} : memref<4096x2xf32, #tpu.memory_space<vmem>>, vector<4096x2xf32>,
    return
  }
}

</mosaic_0001>

<sc_bundles>
// kernel: kernel.4.cloned.1.call-start
scs
__scs_entry_jumppad:
0x0: {  	(pc) =	sbr.rel $0x88, $3  }
0x1: {  	(tag) =	ssettag $0x0;
	lr =	simm.s32 $0x1  }
0x2: {  	[smem:$0x3F9B] =	sst lr;
	_ =	strace $0xD0000000  }
0x3: {  	_ = 	snop  }
0x4: {  	_ = 	snop  }
0x5: {  	_ = 	snop  }
0x6: {  	_ = 	snop  }
0x7: {  	_ = 	snop  }
__scs_overlays_trampoline_lowered:
0x8: {  	[smem:$0x3FAA] =	sst s0  }
0x9: {  	[smem:$0x3FAB] =	sst s1  }
0xa: {  	[smem:$0x3FAC] =	sst s2  }
0xb: {  	[smem:$0x3FAD] =	sst s3  }
0xc: {  	[smem:$0x3FAE] =	sst s4  }
0xd: {  	[smem:$0x3FAF] =	sst s5  }
0xe: {  	[smem:$0x3FB0] =	sst s6  }
0xf: {  	[smem:$0x3FB1] =	sst s7  }
0x10: {  	[smem:$0x3FB2] =	sst s8  }
0x11: {  	[smem:$0x3FB3] =	sst s9;
	s0 =	simm.s32 @!p0 $0x0  }
0x12: {  	s1 =	sld [smem:$0x3F99];
	s0 =	simm.s32 @p0 $0x1  }
0x13: {  	[smem:$0x3FB4] =	sst s0;
	s0 =	simm.s32 @!p1 $0x0  }
0x14: {  	s2 =	sld [smem:$0x3F98];
	s0 =	simm.s32 @p1 $0x1  }
0x15: {  	[smem:$0x3FB5] =	sst s0;
	s0 =	simm.s32 @!p2 $0x0  }
0x16: {  	s3 =	sld [smem:$0x3FDB];
	s0 =	simm.s32 @p2 $0x1  }
0x17: {  	s4 =	simm.s32 $0x1BF5;
	[smem:$0x3FB7] =	sst s0  }
0x18: {  	s0 =	sld [smem:$0x3F9A];
	_ =	swait.ge [sflag:s4], $0x0  }
0x19: {  	s7 =	sld [smem:$0x3F9B]  }
0x1a: {  	s8 =	sadd.s32 $0xFFFFE003, lr  }
0x1b: {  	s9 =	sadd.s32 $0xFFFFFEF7, lr;
	s5 =	simm.s32 $0xFFFFFFFF;
	p2 =	slt.u32 s8, $0xFFFFF086  }
0x1c: {  	p1 =	slt.u32 s9, $0xF7A;
	s5 =	simm.s32 @!p2 $0x0  }
0x1d: {  	s5 =	simm.s32 @p1 $0x1;
	p0 =	seq.s32 s7, s2  }
0x1e: {  	s7 =	smul.u32 @!p0 $0xF7A, s2;
	p2 =	seq.s32 @!p0 s5, $0x0  }
0x1f: {  	s9 =	smul.u32 $0xF7A, s1;
	s8 =	simm.s32 @!p0 $0x1BF5;
	p2 =	por !p2, p0  }
0x20: {  	[sflag:s8] =	ssyncset.s32 @!p0 $0xFFFFF086;
	s6 =	sadd.s32 @!p0 s3, s7;
	s7 =	simm.s32 @!p0 $0x108  }
0x21: {  	s3 =	sadd.s32 s3, s9;
	s6 =	sadd.s32 @!p0 $0x88, s6;
	s7 =	simm.s32 @p2 $0x1082  }
0x22: {  	[simem:s7], [sflag:s8] =	dma.local @!p0 [hbm:s6], $0xF7A  }
0x23: {  	s9 =	sor.u32 $0xD0000000, s2;
	s6 =	simm.s32 $0x108;
	_ =	swait.ge @!p0 [sflag:s8], $0x0  }
0x24: {  	s3 =	sadd.s32 $0x88, s3;
	s6 =	simm.s32 @!p1 $0x1082;
	[sflag:s4] =	ssyncset.s32 $0xFFFFF086  }
0x25: {  	[simem:s6], [sflag:s4] =	dma.local [hbm:s3], $0xF7A  }
0x26: {  	[smem:$0x3F9B] =	sst s1;
	(tag) =	ssettag s2;
	_ =	strace s9  }
0x27: {  	s1 =	sld [smem:$0x3FAB]  }
0x28: {  	s2 =	sld [smem:$0x3FAC]  }
0x29: {  	s4 =	sld [smem:$0x3FAE]  }
0x2a: {  	p0 =	seq.s32 s5, $0x0;
	s5 =	sld [smem:$0x3FAF]  }
0x2b: {  	s6 =	sld [smem:$0x3FB0]  }
0x2c: {  	s7 =	sld [smem:$0x3FB1]  }
0x2d: {  	s3 =	simm.s32 $0x108;
	s8 =	sld [smem:$0x3FB2]  }
0x2e: {  	s3 =	simm.s32 @!p0 $0x1082;
	s9 =	sld [smem:$0x3FB3]  }
0x2f: {  	lr =	sadd.s32 s0, s3;
	s0 =	sld [smem:$0x3FAA]  }
0x30: {  	s3 =	sld [smem:$0x3FAD]  }
0x31: {  	[smem:$0x3FB6] =	sst s10  }
0x32: {  	s10 =	sld [smem:$0x3FB4];
	_ =	sdelay $0x3  }
0x33: {  	p0 =	seq.s32 s10, $0x1;
	s10 =	sld [smem:$0x3FB6];
	_ =	sdelay $0x3  }
0x34: {  	[smem:$0x3FB6] =	sst s10  }
0x35: {  	s10 =	sld [smem:$0x3FB5];
	_ =	sdelay $0x3  }
0x36: {  	p1 =	seq.s32 s10, $0x1;
	s10 =	sld [smem:$0x3FB6];
	_ =	sdelay $0x3  }
0x37: {  	[smem:$0x3FB6] =	sst s10  }
0x38: {  	s10 =	sld [smem:$0x3FB7]  }
0x39: {  	_ = 	snop;
	(pc) =	sbr.ind lr, $3  }
0x3a: {  	_ = 	snop  }
0x3b: {  	_ = 	snop  }
0x3c: {  	p2 =	seq.s32 s10, $0x1;
	s10 =	sld [smem:$0x3FB6]  }
0x3d: {  	_ =	shalt  }
0x3e: {  	_ =	shalt  }
0x3f: {  	_ =	shalt  }
0x40: {  	_ =	shalt  }
0x41: {  	_ =	shalt  }
0x42: {  	_ =	shalt  }
0x43: {  	_ =	shalt  }
0x44: {  	_ =	shalt  }
0x45: {  	_ =	shalt  }
0x46: {  	_ =	shalt  }
0x47: {  	_ =	shalt  }
0x48: {  	_ =	shalt  }
0x49: {  	_ =	shalt  }
0x4a: {  	_ =	shalt  }
0x4b: {  	_ =	shalt  }
0x4c: {  	_ =	shalt  }
0x4d: {  	_ =	shalt  }
0x4e: {  	_ =	shalt  }
0x4f: {  	_ =	shalt  }
0x50: {  	_ =	shalt  }
0x51: {  	_ =	shalt  }
0x52: {  	_ =	shalt  }
0x53: {  	_ =	shalt  }
0x54: {  	_ =	shalt  }
0x55: {  	_ =	shalt  }
0x56: {  	_ =	shalt  }
0x57: {  	_ =	shalt  }
0x58: {  	_ =	shalt  }
0x59: {  	_ =	shalt  }
0x5a: {  	_ =	shalt  }
0x5b: {  	_ =	shalt  }
0x5c: {  	_ =	shalt  }
0x5d: {  	_ =	shalt  }
0x5e: {  	_ =	shalt  }
0x5f: {  	_ =	shalt  }
0x60: {  	_ =	shalt  }
0x61: {  	_ =	shalt  }
0x62: {  	_ =	shalt  }
0x63: {  	_ =	shalt  }
0x64: {  	_ =	shalt  }
0x65: {  	_ =	shalt  }
0x66: {  	_ =	shalt  }
0x67: {  	_ =	shalt  }
0x68: {  	_ =	shalt  }
0x69: {  	_ =	shalt  }
0x6a: {  	_ =	shalt  }
0x6b: {  	_ =	shalt  }
0x6c: {  	_ =	shalt  }
0x6d: {  	_ =	shalt  }
0x6e: {  	_ =	shalt  }
0x6f: {  	_ =	shalt  }
0x70: {  	_ =	shalt  }
0x71: {  	_ =	shalt  }
0x72: {  	_ =	shalt  }
0x73: {  	_ =	shalt  }
0x74: {  	_ =	shalt  }
0x75: {  	_ =	shalt  }
0x76: {  	_ =	shalt  }
0x77: {  	_ =	shalt  }
0x78: {  	_ =	shalt  }
0x79: {  	_ =	shalt  }
0x7a: {  	_ =	shalt  }
0x7b: {  	_ =	shalt  }
0x7c: {  	_ =	shalt  }
0x7d: {  	_ =	shalt  }
0x7e: {  	_ =	shalt  }
0x7f: {  	_ =	shalt  }
0x80: {  	_ =	shalt  }
0x81: {  	_ =	shalt  }
0x82: {  	_ =	shalt  }
0x83: {  	_ =	shalt  }
0x84: {  	_ =	shalt  }
0x85: {  	_ =	shalt  }
0x86: {  	_ =	shalt  }
0x87: {  	_ =	shalt  }
.Lfunc_end0:
.L_simem_size_0:
called_computation_lowered:
.L_overlay_start_0:
0x88: {  	s2 =	sld [smem:$0x3FD9]  }
0x89: {  	s3 =	sld [smem:$0x3FFE];
	_ =	sdelay $0x1  }
0x8a: {  	s1 =	srdreg.scid  }
0x8b: {  	s0 =	sand.u32 $0x1, s1  }
0x8c: {  	s16 =	sshll.u32 s0, $0xA;
	s2 =	sadd.s32 s3, s2  }
0x8d: {  	s2 =	sadd.s32 s2, s16  }
0x8e: {  	[smem:$0x3FC2] =	sst s2  }
0x8f: {  	_ = 	snop  }
0x90: {  	(tm) =	ssettm $0x1  }
0x91: {  	s17 =	sld [smem:$0x3FFB];
	_ =	sdelay $0x3  }
0x92: {  	_ =	strace s17  }
0x93: {  	s2 =	sld [smem:$0x3FFC];
	_ =	sdelay $0x3  }
0x94: {  	_ =	strace s2  }
0x95: {  	s2 =	sld [smem:$0x3FFD];
	_ =	sdelay $0x3  }
0x96: {  	_ =	strace s2  }
0x97: {  	_ =	strace $0x8FFFFFFF  }
0x98: {  	s18 =	sld [smem:$0x3FDB];
	_ =	sdelay $0x1  }
0x99: {  	s19 =	simm.s32 $_scs_section_size  }
0x9a: {  	s4 =	simm.s32 $_size__tile_overlayer_lowered;
	s5 =	simm.s32 $_tile_overlayer_lowered  }
0x9b: {  	s22 =	simm.s32 $0x1BFF;
	s21 =	sshll.u32 s5, $0x1;
	s2 =	sadd.s32 s19, s18  }
0x9c: {  	s6 =	simm.s32 $0x0;
	s20 =	sshll.u32 s4, $0x1;
	s4 =	sadd.s32 s21, s2  }
0x9d: {  	[timem:s6], [sflag:s22] =	dma.local [hbm:s4], s20  }
0x9e: {  	_ =	swait.ge [sflag:s22], s20  }
0x9f: {  	s3 =	ssub.s32 $0x0, s20;
	[sflag:s22] =	ssyncset.done $0x0  }
0xa0: {  	[sflag:s22] =	ssyncadd.s32 s3;
	_ =	sdelay $0x1  }
0xa1: {  	s23 =	simm.s32 $0x1B8B  }
0xa2: {  	_ =	swait.ge [sflag:s23], $0x1  }
0xa3: {  	[sflag:s23] =	ssyncset.done $0x0  }
0xa4: {  	s25 =	simm.s32 $0x1B8E;
	s24 =	sld [smem:$0x3FFE];
	[sflag:s23] =	ssyncadd.s32 $0xFFFFFFFF  }
0xa5: {  	s26 =	simm.s32 $execute0_lowered;
	[smem:$0x3FD2] =	sst s25  }
0xa6: {  	s4 =	sshll.u32 s26, $0x1;
	_ =	strace $0x80000046;
	[dreg:$0x1] =	wrdreg $0xFFFFFFFF  }
0xa7: {  	s28 =	simm.s32 $_size_execute0_lowered;
	s2 =	sadd.s32 s2, s4;
	[dreg:$0x0] =	wrdreg $0x0  }
0xa8: {  	s4 =	sshll.u32 s28, $0x1;
	[dreg:$0x2] =	wrdreg s2  }
0xa9: {  	[dreg:$0x3] =	wrdreg s4  }
0xaa: {  	[dreg:$0x4] =	wrdreg $0xC0  }
0xab: {  	_ =	task [dreg:s6], $0x5FFFF  }
0xac: {  	[dreg:$0x1] =	wrdreg $0xFFFFFFFF  }
0xad: {  	[dreg:$0x0] =	wrdreg $0x60  }
0xae: {  	[dreg:$0x2] =	wrdreg s24  }
0xaf: {  	[dreg:$0x3] =	wrdreg $0x9  }
0xb0: {  	_ =	task.clear_ibuf [dreg:s6], $0x4FFFF;
	_ =	strace $0x90000046  }
0xb1: {  	s29 =	simm.s32 $0x9;
	_ =	strace $0x80000048  }
0xb2: {  	_ =	swait.ge [sflag:s29], $0x1  }
0xb3: {  	[sflag:s29] =	ssyncadd.s32 $0xFFFFFFFF  }
0xb4: {  	_ =	strace $0x90000048  }
0xb5: {  	_ =	sfence  }
0xb6: {  	s30 =	sld [smem:$0x0];
	_ =	sdelay $0x2  }
0xb7: {  	s31 =	sshll.u32 s1, $0xD;
	s1 =	sshrl.u32 s1, $0x2  }
0xb8: {  	s3 =	sand.u32 $0x4000, s31;
	s1 =	sadd.s32 s1, s30  }
0xb9: {  	s0 =	sor.u32 s3, s0;
	s1 =	sshll.u32 s1, $0x11  }
0xba: {  	s0 =	sor.u32 s1, s0  }
0xbb: {  	s0 =	sadd.s32 $0x8F2B, s0  }
0xbc: {  	[sflag:s0] =	ssyncadd.remote.s32 $0x1  }
0xbd: {  	_ =	sfence.sel $0xFFFF  }
0xbe: {  	[dreg:$0x0] =	wrdreg $0xFFFFFFFF;
	(pc) =	sbr.abs _section_cstart, $3  }
0xbf: {  	[dreg:$0x1] =	wrdreg $0xFFFFFFFF  }
0xc0: {  	_ =	task.clear_ibuf [dreg:s6], $0x2FFFF;
	_ =	strace $0x9FFFFFFF  }
0xc1: {  	(tm) =	ssettm $0x7FFFFFFF  }
tec
execute0_lowered:
.L_overlay_start_1:
0x0: {  	(tag) =	ssettag $0x1  }
0x1: {  	s0 =	srdreg.scid;
	s2 =	stileid.u32  }
0x2: {  	s1 =	rddreg [dreg:$0x0];
	s7 =	simm.s32 $0x5;
	s8 =	simm.s32 $0x68  }
0x3: {  	s9 =	simm.s32 $0x6400;
	s10 =	simm.s32 $0x60;
	s11 =	simm.s32 $0x7E00  }
0x4: {  	s13 =	simm.s32 $0x9600;
	s15 =	simm.s32 $0xB000;
	s17 =	simm.s32 $0xC800  }
0x5: {  	s18 =	simm.s32 $0x1F8;
	s19 =	simm.s32 $0xE200;
	s20 =	simm.s32 $0xFA00  }
0x6: {  	s21 =	simm.s32 $0x11400;
	s22 =	simm.s32 $0x1;
	s23 =	simm.s32 $0x2  }
0x7: {  	s24 =	simm.s32 $0x3;
	s25 =	simm.s32 $0x4;
	s26 =	simm.s32 $0x6338  }
0x8: {  	s28 =	simm.s32 $0x63A0;
	s29 =	simm.s32 $0x12C00;
	s0 =	sand.u32 $0x1, s0  }
0x9: {  	s3 =	sshll.u32 s2, $0x8;
	s2 =	simm.s32 $0x0;
	s4 =	sshll.u32 s0, $0x7  }
0xa: {  	s30 =	simm.s32 $0x0;
	[smem:$0x7FF] =	sst s2;
	s3 =	sor.u32 s4, s3  }
0xb: {  	s0 =	ssub.s32 $0x2, s0;
	_ =	strace $0x80000047;
	s4 =	smul.u32 $0x19, s3  }
0xc: {  	s31 =	sshrl.u32 s0, $0x1;
	s5 =	sshll.u32 s3, $0x3;
	s3 =	sadd.s32 $0x19C00, s1  }
0xd: {  	s0 =	ssub.s32 s0, s31;
	s4 =	sadd.s32 s4, s1;
	s1 =	sadd.s32 s5, s1  }
0xe: {  	s6 =	smax.u32 s0, $0x1;
	s4 =	sadd.s32 $0xC00, s4;
	s5 =	sadd.s32 $0xF5C000, s1  }
.LBB2_1:
0xf: {  	[tilespmem:s2], [sflag:$0x5] =	stream.linear.gather [hbm4b:s4+s2], $0x6400, $0x38;
	[tilespmem:$0x14C00] =	vst v63  }
0x10: {  	_ =	swait.ge [sflag:s7], $0x6400  }
0x11: {  	[sflag:s7] =	ssyncset.done $0x0  }
0x12: {  	[sflag:s7] =	ssyncadd.s32 $0xFFFF9C00  }
0x13: {  	[tilespmem:s9], [sflag:$0x1] =	stream.indirect.gather [hbm4b:s3+s8], $0x40, s2, s8, $0xb8;
	[tilespmem:$0x14C00] =	vst v63  }
0x14: {  	_ = 	snop  }
0x15: {  	[tilespmem:s11], [sflag:$0x1] =	stream.indirect.gather [hbm4b:s3+s10], $0x40, s8, s10, $0xb8;
	[tilespmem:$0x14C00] =	vst v63  }
0x16: {  	s0 =	simm.s32 $0xC8  }
0x17: {  	[tilespmem:s13], [sflag:$0x2] =	stream.indirect.gather [hbm4b:s3+s8], $0x40, s0, s8, $0xb8;
	[tilespmem:$0x14C00] =	vst v63  }
0x18: {  	s14 =	simm.s32 $0x130  }
0x19: {  	[tilespmem:s15], [sflag:$0x2] =	stream.indirect.gather [hbm4b:s3+s10], $0x40, s14, s10, $0xb8;
	[tilespmem:$0x14C00] =	vst v63  }
0x1a: {  	s16 =	simm.s32 $0x190  }
0x1b: {  	[tilespmem:s17], [sflag:$0x3] =	stream.indirect.gather [hbm4b:s3+s8], $0x40, s16, s8, $0xb8;
	[tilespmem:$0x14C00] =	vst v63  }
0x1c: {  	s31 =	simm.s32 $0x0  }
0x1d: {  	[tilespmem:s19], [sflag:$0x3] =	stream.indirect.gather [hbm4b:s3+s10], $0x40, s18, s10, $0xb8;
	[tilespmem:$0x14C00] =	vst v63  }
.LBB2_2:
0x1e: {  	s1 =	sshllo.u32 s31, $0x2  }
0x1f: {  	s0 =	smul.u32 $0x320, s1;
	_ =	sdelay $0x1  }
0x20: {  	s0 =	sshra.s32 s0, $0x2  }
0x21: {  	[tilespmem:s20], [sflag:$0x4] =	stream.indirect.gather [hbm4b:s3+s8], $0x40, s0, s8, $0xb8;
	[tilespmem:$0x14C00] =	vst v63  }
0x22: {  	s0 =	sadd.s32 $0x68, s0  }
0x23: {  	[tilespmem:s21], [sflag:$0x4] =	stream.indirect.gather [hbm4b:s3+s10], $0x40, s0, s10, $0xb8;
	[tilespmem:$0x14C00] =	vst v63  }
0x24: {  	_ =	swait.ge [sflag:s22], $0x3200  }
0x25: {  	[sflag:s22] =	ssyncset.done $0x0  }
0x26: {  	s12 =	simm.s32 $0x6480;
	[sflag:s22] =	ssyncadd.s32 $0xFFFFCE00  }
0x27: {  	v0 =	vld [tilespmem:s12+$0x40]  }
0x28: {  	v1 =	vld [tilespmem:s12+$0x50]  }
0x29: {  	v2 =	vld [tilespmem:s12+$0x0]  }
0x2a: {  	v3 =	vld [tilespmem:s12+$0x10]  }
0x2b: {  	v8 =	vld [tilespmem:s12+$0xFFFFFFC0]  }
0x2c: {  	v12 =	vld [tilespmem:s12+$0xFFFFFFD0]  }
0x2d: {  	v5 =	vld [tilespmem:s12+$0xFFFFFF80]  }
0x2e: {  	v6 =	vld [tilespmem:s12+$0xFFFFFF90]  }
0x2f: {  	v10 =	vld [tilespmem:s12+$0xFFFFFFA0]  }
0x30: {  	v13 =	vld [tilespmem:s12+$0xFFFFFFB0]  }
0x31: {  	v7 =	vld [tilespmem:s12+$0xFFFFFFE0]  }
0x32: {  	v9 =	vld [tilespmem:s12+$0xFFFFFFF0]  }
0x33: {  	v14 =	vimm.f32 $0.0e+00;
	v4 =	vld [tilespmem:s12+$0x20]  }
0x34: {  	v15 =	vadd.f32 v5, v14;
	v16 =	vadd.f32 v6, v14;
	v6 =	vld [tilespmem:s12+$0x30]  }
0x35: {  	v11 =	vadd.f32 v10, v14;
	v10 =	vadd.f32 v13, v14;
	v5 =	vld [tilespmem:s12+$0x60]  }
0x36: {  	s0 =	simm.s32 $0x0;
	v13 =	vadd.f32 v8, v15;
	v12 =	vadd.f32 v12, v16;
	v8 =	vld [tilespmem:s12+$0x70];
	s12 =	simm.s32 $0x6580  }
.LBB2_3:
0x37: {  	v14 =	vld [tilespmem:s12+$0x40];
	v7 =	vadd.f32 v7, v11;
	v9 =	vadd.f32 v9, v10  }
0x38: {  	v10 =	vld [tilespmem:s12+$0x50];
	v11 =	vadd.f32 v2, v13;
	v12 =	vadd.f32 v3, v12  }
0x39: {  	v2 =	vld [tilespmem:s12+$0x0];
	v4 =	vadd.f32 v4, v7;
	v6 =	vadd.f32 v6, v9  }
0x3a: {  	v3 =	vld [tilespmem:s12+$0x10];
	v11 =	vadd.f32 v0, v11;
	v12 =	vadd.f32 v1, v12  }
0x3b: {  	v13 =	vld [tilespmem:s12+$0xFFFFFFC0];
	v5 =	vadd.f32 v5, v4;
	v8 =	vadd.f32 v8, v6  }
0x3c: {  	v15 =	vld [tilespmem:s12+$0xFFFFFFD0];
	v0 =	vmov v14  }
0x3d: {  	v6 =	vld [tilespmem:s12+$0xFFFFFF80];
	v1 =	vmov v10  }
0x3e: {  	v10 =	vld [tilespmem:s12+$0xFFFFFF90]  }
0x3f: {  	v14 =	vld [tilespmem:s12+$0xFFFFFFA0]  }
0x40: {  	s0 =	sadd.s32 $0x4, s0;
	v16 =	vld [tilespmem:s12+$0xFFFFFFB0]  }
0x41: {  	p0 =	slt.u32 s0, $0xC4;
	v7 =	vld [tilespmem:s12+$0xFFFFFFE0]  }
.Ltmp0:
0x42: {  	v9 =	vld [tilespmem:s12+$0xFFFFFFF0];
	(pc) =	sbr.rel @p0 .LBB2_3-.Ltmp0, $4  }
0x43: {  	v4 =	vld [tilespmem:s12+$0x20]  }
0x44: {  	v17 =	vadd.f32 v6, v11;
	v12 =	vadd.f32 v10, v12;
	v6 =	vld [tilespmem:s12+$0x30]  }
0x45: {  	v11 =	vadd.f32 v14, v5;
	v10 =	vadd.f32 v16, v8;
	v5 =	vld [tilespmem:s12+$0x60]  }
0x46: {  	v13 =	vadd.f32 v13, v17;
	v12 =	vadd.f32 v15, v12;
	v8 =	vld [tilespmem:s12+$0x70];
	s12 =	sadd.s32 $0x100, s12  }
0x47: {  	_ = 	snop  }
0x48: {  	v7 =	vadd.f32 v7, v11;
	v2 =	vadd.f32 v2, v13  }
0x49: {  	v9 =	vadd.f32 v9, v10;
	v3 =	vadd.f32 v3, v12  }
0x4a: {  	s0 =	sshll.u32 s31, $0x8;
	v4 =	vadd.f32 v4, v7;
	v0 =	vadd.f32 v0, v2  }
0x4b: {  	s0 =	sand.u32 $0x3FFFFF00, s0;
	v2 =	vadd.f32 v6, v9;
	v1 =	vadd.f32 v1, v3  }
0x4c: {  	s12 =	smul.u32 $0xC80, s31;
	v3 =	vadd.f32 v5, v4;
	[tilespmem:s0+$0x12C00] =	vst v0  }
0x4d: {  	v0 =	vadd.f32 v8, v2;
	[tilespmem:s0+$0x12C10] =	vst v1  }
0x4e: {  	s12 =	sshra.s32 s12, $0x2;
	[tilespmem:s0+$0x12C20] =	vst v3  }
0x4f: {  	s14 =	sadd.s32 $0x320, s12;
	[tilespmem:s0+$0x12C30] =	vst v0  }
0x50: {  	[tilespmem:s9], [sflag:$0x1] =	stream.indirect.gather [hbm4b:s3+s8], $0x40, s14, s8, $0xb8;
	[tilespmem:$0x14C00] =	vst v63  }
0x51: {  	s16 =	sadd.s32 $0x388, s12  }
0x52: {  	[tilespmem:s11], [sflag:$0x1] =	stream.indirect.gather [hbm4b:s3+s10], $0x40, s16, s10, $0xb8;
	[tilespmem:$0x14C00] =	vst v63  }
0x53: {  	_ =	swait.ge [sflag:s23], $0x3200  }
0x54: {  	[sflag:s23] =	ssyncset.done $0x0  }
0x55: {  	s16 =	simm.s32 $0x9680;
	[sflag:s23] =	ssyncadd.s32 $0xFFFFCE00  }
0x56: {  	v0 =	vld [tilespmem:s16+$0x40]  }
0x57: {  	v1 =	vld [tilespmem:s16+$0x50]  }
0x58: {  	v2 =	vld [tilespmem:s16+$0x0]  }
0x59: {  	v3 =	vld [tilespmem:s16+$0x10]  }
0x5a: {  	v9 =	vld [tilespmem:s16+$0xFFFFFFC0]  }
0x5b: {  	v12 =	vld [tilespmem:s16+$0xFFFFFFD0]  }
0x5c: {  	v5 =	vld [tilespmem:s16+$0xFFFFFF80]  }
0x5d: {  	v7 =	vld [tilespmem:s16+$0xFFFFFF90]  }
0x5e: {  	v10 =	vld [tilespmem:s16+$0xFFFFFFA0]  }
0x5f: {  	v13 =	vld [tilespmem:s16+$0xFFFFFFB0]  }
0x60: {  	v6 =	vld [tilespmem:s16+$0xFFFFFFE0]  }
0x61: {  	v8 =	vld [tilespmem:s16+$0xFFFFFFF0]  }
0x62: {  	v14 =	vimm.f32 $0.0e+00;
	v4 =	vld [tilespmem:s16+$0x20]  }
0x63: {  	v15 =	vadd.f32 v5, v14;
	v16 =	vadd.f32 v7, v14;
	v7 =	vld [tilespmem:s16+$0x30]  }
0x64: {  	v11 =	vadd.f32 v10, v14;
	v10 =	vadd.f32 v13, v14;
	v5 =	vld [tilespmem:s16+$0x60]  }
0x65: {  	s14 =	simm.s32 $0x0;
	v13 =	vadd.f32 v9, v15;
	v12 =	vadd.f32 v12, v16;
	v9 =	vld [tilespmem:s16+$0x70];
	s16 =	simm.s32 $0x9780  }
.LBB2_5:
0x66: {  	v14 =	vld [tilespmem:s16+$0x40];
	v6 =	vadd.f32 v6, v11;
	v8 =	vadd.f32 v8, v10  }
0x67: {  	v10 =	vld [tilespmem:s16+$0x50];
	v11 =	vadd.f32 v2, v13;
	v12 =	vadd.f32 v3, v12  }
0x68: {  	v2 =	vld [tilespmem:s16+$0x0];
	v4 =	vadd.f32 v4, v6;
	v6 =	vadd.f32 v7, v8  }
0x69: {  	v3 =	vld [tilespmem:s16+$0x10];
	v7 =	vadd.f32 v0, v11;
	v11 =	vadd.f32 v1, v12  }
0x6a: {  	v12 =	vld [tilespmem:s16+$0xFFFFFFC0];
	v5 =	vadd.f32 v5, v4;
	v9 =	vadd.f32 v9, v6  }
0x6b: {  	v15 =	vld [tilespmem:s16+$0xFFFFFFD0];
	v0 =	vmov v14  }
0x6c: {  	v13 =	vld [tilespmem:s16+$0xFFFFFF80];
	v1 =	vmov v10  }
0x6d: {  	v10 =	vld [tilespmem:s16+$0xFFFFFF90]  }
0x6e: {  	v14 =	vld [tilespmem:s16+$0xFFFFFFA0]  }
0x6f: {  	s14 =	sadd.s32 $0x4, s14;
	v16 =	vld [tilespmem:s16+$0xFFFFFFB0]  }
0x70: {  	p0 =	slt.u32 s14, $0xC4;
	v6 =	vld [tilespmem:s16+$0xFFFFFFE0]  }
.Ltmp1:
0x71: {  	v8 =	vld [tilespmem:s16+$0xFFFFFFF0];
	(pc) =	sbr.rel @p0 .LBB2_5-.Ltmp1, $4  }
0x72: {  	v4 =	vld [tilespmem:s16+$0x20]  }
0x73: {  	v13 =	vadd.f32 v13, v7;
	v17 =	vadd.f32 v10, v11;
	v7 =	vld [tilespmem:s16+$0x30]  }
0x74: {  	v11 =	vadd.f32 v14, v5;
	v10 =	vadd.f32 v16, v9;
	v5 =	vld [tilespmem:s16+$0x60]  }
0x75: {  	v13 =	vadd.f32 v12, v13;
	v12 =	vadd.f32 v15, v17;
	v9 =	vld [tilespmem:s16+$0x70];
	s16 =	sadd.s32 $0x100, s16  }
0x76: {  	_ = 	snop  }
0x77: {  	v6 =	vadd.f32 v6, v11;
	v2 =	vadd.f32 v2, v13  }
0x78: {  	v8 =	vadd.f32 v8, v10;
	v3 =	vadd.f32 v3, v12  }
0x79: {  	v4 =	vadd.f32 v4, v6;
	v0 =	vadd.f32 v0, v2  }
0x7a: {  	v2 =	vadd.f32 v7, v8;
	v1 =	vadd.f32 v1, v3  }
0x7b: {  	v3 =	vadd.f32 v5, v4;
	[tilespmem:s0+$0x12C40] =	vst v0  }
0x7c: {  	v0 =	vadd.f32 v9, v2;
	[tilespmem:s0+$0x12C50] =	vst v1  }
0x7d: {  	[tilespmem:s0+$0x12C60] =	vst v3  }
0x7e: {  	s14 =	sadd.s32 $0x3E8, s12;
	[tilespmem:s0+$0x12C70] =	vst v0  }
0x7f: {  	[tilespmem:s13], [sflag:$0x2] =	stream.indirect.gather [hbm4b:s3+s8], $0x40, s14, s8, $0xb8;
	[tilespmem:$0x14C00] =	vst v63  }
0x80: {  	s16 =	sadd.s32 $0x450, s12  }
0x81: {  	[tilespmem:s15], [sflag:$0x2] =	stream.indirect.gather [hbm4b:s3+s10], $0x40, s16, s10, $0xb8;
	[tilespmem:$0x14C00] =	vst v63  }
0x82: {  	_ =	swait.ge [sflag:s24], $0x3200  }
0x83: {  	[sflag:s24] =	ssyncset.done $0x0  }
0x84: {  	s16 =	simm.s32 $0xC880;
	[sflag:s24] =	ssyncadd.s32 $0xFFFFCE00  }
0x85: {  	v0 =	vld [tilespmem:s16+$0x40]  }
0x86: {  	v1 =	vld [tilespmem:s16+$0x50]  }
0x87: {  	v2 =	vld [tilespmem:s16+$0x0]  }
0x88: {  	v3 =	vld [tilespmem:s16+$0x10]  }
0x89: {  	v9 =	vld [tilespmem:s16+$0xFFFFFFC0]  }
0x8a: {  	v12 =	vld [tilespmem:s16+$0xFFFFFFD0]  }
0x8b: {  	v5 =	vld [tilespmem:s16+$0xFFFFFF80]  }
0x8c: {  	v7 =	vld [tilespmem:s16+$0xFFFFFF90]  }
0x8d: {  	v10 =	vld [tilespmem:s16+$0xFFFFFFA0]  }
0x8e: {  	v13 =	vld [tilespmem:s16+$0xFFFFFFB0]  }
0x8f: {  	v6 =	vld [tilespmem:s16+$0xFFFFFFE0]  }
0x90: {  	v8 =	vld [tilespmem:s16+$0xFFFFFFF0]  }
0x91: {  	v14 =	vimm.f32 $0.0e+00;
	v4 =	vld [tilespmem:s16+$0x20]  }
0x92: {  	v15 =	vadd.f32 v5, v14;
	v16 =	vadd.f32 v7, v14;
	v7 =	vld [tilespmem:s16+$0x30]  }
0x93: {  	v11 =	vadd.f32 v10, v14;
	v10 =	vadd.f32 v13, v14;
	v5 =	vld [tilespmem:s16+$0x60]  }
0x94: {  	s14 =	simm.s32 $0x0;
	v13 =	vadd.f32 v9, v15;
	v12 =	vadd.f32 v12, v16;
	v9 =	vld [tilespmem:s16+$0x70];
	s16 =	simm.s32 $0xC980  }
.LBB2_7:
0x95: {  	v14 =	vld [tilespmem:s16+$0x40];
	v6 =	vadd.f32 v6, v11;
	v8 =	vadd.f32 v8, v10  }
0x96: {  	v10 =	vld [tilespmem:s16+$0x50];
	v11 =	vadd.f32 v2, v13;
	v12 =	vadd.f32 v3, v12  }
0x97: {  	v2 =	vld [tilespmem:s16+$0x0];
	v4 =	vadd.f32 v4, v6;
	v6 =	vadd.f32 v7, v8  }
0x98: {  	v3 =	vld [tilespmem:s16+$0x10];
	v7 =	vadd.f32 v0, v11;
	v11 =	vadd.f32 v1, v12  }
0x99: {  	v12 =	vld [tilespmem:s16+$0xFFFFFFC0];
	v5 =	vadd.f32 v5, v4;
	v9 =	vadd.f32 v9, v6  }
0x9a: {  	v15 =	vld [tilespmem:s16+$0xFFFFFFD0];
	v0 =	vmov v14  }
0x9b: {  	v13 =	vld [tilespmem:s16+$0xFFFFFF80];
	v1 =	vmov v10  }
0x9c: {  	v10 =	vld [tilespmem:s16+$0xFFFFFF90]  }
0x9d: {  	v14 =	vld [tilespmem:s16+$0xFFFFFFA0]  }
0x9e: {  	s14 =	sadd.s32 $0x4, s14;
	v16 =	vld [tilespmem:s16+$0xFFFFFFB0]  }
0x9f: {  	p0 =	slt.u32 s14, $0xC4;
	v6 =	vld [tilespmem:s16+$0xFFFFFFE0]  }
.Ltmp2:
0xa0: {  	v8 =	vld [tilespmem:s16+$0xFFFFFFF0];
	(pc) =	sbr.rel @p0 .LBB2_7-.Ltmp2, $4  }
0xa1: {  	v4 =	vld [tilespmem:s16+$0x20]  }
0xa2: {  	v13 =	vadd.f32 v13, v7;
	v17 =	vadd.f32 v10, v11;
	v7 =	vld [tilespmem:s16+$0x30]  }
0xa3: {  	v11 =	vadd.f32 v14, v5;
	v10 =	vadd.f32 v16, v9;
	v5 =	vld [tilespmem:s16+$0x60]  }
0xa4: {  	v13 =	vadd.f32 v12, v13;
	v12 =	vadd.f32 v15, v17;
	v9 =	vld [tilespmem:s16+$0x70];
	s16 =	sadd.s32 $0x100, s16  }
0xa5: {  	_ = 	snop  }
0xa6: {  	v6 =	vadd.f32 v6, v11;
	v2 =	vadd.f32 v2, v13  }
0xa7: {  	v8 =	vadd.f32 v8, v10;
	v3 =	vadd.f32 v3, v12  }
0xa8: {  	v4 =	vadd.f32 v4, v6;
	v0 =	vadd.f32 v0, v2  }
0xa9: {  	v2 =	vadd.f32 v7, v8;
	v1 =	vadd.f32 v1, v3  }
0xaa: {  	v3 =	vadd.f32 v5, v4;
	[tilespmem:s0+$0x12C80] =	vst v0  }
0xab: {  	v0 =	vadd.f32 v9, v2;
	[tilespmem:s0+$0x12C90] =	vst v1  }
0xac: {  	[tilespmem:s0+$0x12CA0] =	vst v3  }
0xad: {  	s16 =	sadd.s32 $0x4B0, s12;
	[tilespmem:s0+$0x12CB0] =	vst v0  }
0xae: {  	[tilespmem:s17], [sflag:$0x3] =	stream.indirect.gather [hbm4b:s3+s8], $0x40, s16, s8, $0xb8;
	[tilespmem:$0x14C00] =	vst v63  }
0xaf: {  	s14 =	sadd.s32 $0x518, s12  }
0xb0: {  	[tilespmem:s19], [sflag:$0x3] =	stream.indirect.gather [hbm4b:s3+s10], $0x40, s14, s10, $0xb8;
	[tilespmem:$0x14C00] =	vst v63  }
0xb1: {  	_ =	swait.ge [sflag:s25], $0x3200  }
0xb2: {  	[sflag:s25] =	ssyncset.done $0x0  }
0xb3: {  	s16 =	simm.s32 $0xFA80;
	[sflag:s25] =	ssyncadd.s32 $0xFFFFCE00  }
0xb4: {  	v0 =	vld [tilespmem:s16+$0x40]  }
0xb5: {  	v1 =	vld [tilespmem:s16+$0x50]  }
0xb6: {  	v2 =	vld [tilespmem:s16+$0x0]  }
0xb7: {  	v3 =	vld [tilespmem:s16+$0x10]  }
0xb8: {  	v9 =	vld [tilespmem:s16+$0xFFFFFFC0]  }
0xb9: {  	v12 =	vld [tilespmem:s16+$0xFFFFFFD0]  }
0xba: {  	v5 =	vld [tilespmem:s16+$0xFFFFFF80]  }
0xbb: {  	v6 =	vld [tilespmem:s16+$0xFFFFFF90]  }
0xbc: {  	v10 =	vld [tilespmem:s16+$0xFFFFFFA0]  }
0xbd: {  	v13 =	vld [tilespmem:s16+$0xFFFFFFB0]  }
0xbe: {  	v7 =	vld [tilespmem:s16+$0xFFFFFFE0]  }
0xbf: {  	v8 =	vld [tilespmem:s16+$0xFFFFFFF0]  }
0xc0: {  	v14 =	vimm.f32 $0.0e+00;
	v4 =	vld [tilespmem:s16+$0x20]  }
0xc1: {  	v15 =	vadd.f32 v5, v14;
	v16 =	vadd.f32 v6, v14;
	v6 =	vld [tilespmem:s16+$0x30]  }
0xc2: {  	v11 =	vadd.f32 v10, v14;
	v10 =	vadd.f32 v13, v14;
	v5 =	vld [tilespmem:s16+$0x60]  }
0xc3: {  	s12 =	simm.s32 $0xFB80;
	s0 =	simm.s32 $0x0;
	v13 =	vadd.f32 v9, v15;
	v12 =	vadd.f32 v12, v16;
	v9 =	vld [tilespmem:s16+$0x70]  }
.LBB2_9:
0xc4: {  	v14 =	vld [tilespmem:s12+$0x40];
	v7 =	vadd.f32 v7, v11;
	v8 =	vadd.f32 v8, v10  }
0xc5: {  	v10 =	vld [tilespmem:s12+$0x50];
	v11 =	vadd.f32 v2, v13;
	v12 =	vadd.f32 v3, v12  }
0xc6: {  	v2 =	vld [tilespmem:s12+$0x0];
	v4 =	vadd.f32 v4, v7;
	v6 =	vadd.f32 v6, v8  }
0xc7: {  	v3 =	vld [tilespmem:s12+$0x10];
	v11 =	vadd.f32 v0, v11;
	v12 =	vadd.f32 v1, v12  }
0xc8: {  	v13 =	vld [tilespmem:s12+$0xFFFFFFC0];
	v5 =	vadd.f32 v5, v4;
	v9 =	vadd.f32 v9, v6  }
0xc9: {  	v15 =	vld [tilespmem:s12+$0xFFFFFFD0];
	v0 =	vmov v14  }
0xca: {  	v6 =	vld [tilespmem:s12+$0xFFFFFF80];
	v1 =	vmov v10  }
0xcb: {  	v10 =	vld [tilespmem:s12+$0xFFFFFF90]  }
0xcc: {  	v14 =	vld [tilespmem:s12+$0xFFFFFFA0]  }
0xcd: {  	s0 =	sadd.s32 $0x4, s0;
	v16 =	vld [tilespmem:s12+$0xFFFFFFB0]  }
0xce: {  	p0 =	slt.u32 s0, $0xC4;
	v7 =	vld [tilespmem:s12+$0xFFFFFFE0]  }
.Ltmp3:
0xcf: {  	v8 =	vld [tilespmem:s12+$0xFFFFFFF0];
	(pc) =	sbr.rel @p0 .LBB2_9-.Ltmp3, $4  }
0xd0: {  	v4 =	vld [tilespmem:s12+$0x20]  }
0xd1: {  	v17 =	vadd.f32 v6, v11;
	v12 =	vadd.f32 v10, v12;
	v6 =	vld [tilespmem:s12+$0x30]  }
0xd2: {  	v11 =	vadd.f32 v14, v5;
	v10 =	vadd.f32 v16, v9;
	v5 =	vld [tilespmem:s12+$0x60]  }
0xd3: {  	v13 =	vadd.f32 v13, v17;
	v12 =	vadd.f32 v15, v12;
	v9 =	vld [tilespmem:s12+$0x70];
	s12 =	sadd.s32 $0x100, s12  }
0xd4: {  	_ = 	snop  }
0xd5: {  	v7 =	vadd.f32 v7, v11;
	v2 =	vadd.f32 v2, v13  }
0xd6: {  	v8 =	vadd.f32 v8, v10;
	s31 =	sadd.s32 $0x1, s31;
	v3 =	vadd.f32 v3, v12  }
0xd7: {  	s0 =	sshll.u32 s1, $0x6;
	p0 =	sne.s32 s31, $0x1F;
	v4 =	vadd.f32 v4, v7;
	v0 =	vadd.f32 v0, v2  }
.Ltmp4:
0xd8: {  	s0 =	sand.u32 $0x3FFFFFC0, s0;
	v61 =	vadd.f32 v6, v8;
	v1 =	vadd.f32 v1, v3;
	(pc) =	sbr.rel @p0 .LBB2_2-.Ltmp4, $4  }
0xd9: {  	v62 =	vadd.f32 v5, v4;
	[tilespmem:s0+$0x12C00] =	vst v0  }
0xda: {  	v63 =	vadd.f32 v9, v61;
	[tilespmem:s0+$0x12C10] =	vst v1  }
0xdb: {  	[tilespmem:s0+$0x12C20] =	vst v62  }
0xdc: {  	[tilespmem:s0+$0x12C30] =	vst v63  }
0xdd: {  	[tilespmem:s20], [sflag:$0x4] =	stream.indirect.gather [hbm4b:s3+s8], $0x40, s26, s8, $0xb8;
	[tilespmem:$0x14C00] =	vst v63  }
0xde: {  	_ = 	snop  }
0xdf: {  	[tilespmem:s21], [sflag:$0x4] =	stream.indirect.gather [hbm4b:s3+s10], $0x40, s28, s10, $0xb8;
	[tilespmem:$0x14C00] =	vst v63  }
0xe0: {  	_ =	swait.ge [sflag:s22], $0x3200  }
0xe1: {  	[sflag:s22] =	ssyncset.done $0x0  }
0xe2: {  	s1 =	simm.s32 $0x6480;
	[sflag:s22] =	ssyncadd.s32 $0xFFFFCE00  }
0xe3: {  	v0 =	vld [tilespmem:s1+$0x40]  }
0xe4: {  	v1 =	vld [tilespmem:s1+$0x50]  }
0xe5: {  	v2 =	vld [tilespmem:s1+$0x0]  }
0xe6: {  	v3 =	vld [tilespmem:s1+$0x10]  }
0xe7: {  	v9 =	vld [tilespmem:s1+$0xFFFFFFC0]  }
0xe8: {  	v12 =	vld [tilespmem:s1+$0xFFFFFFD0]  }
0xe9: {  	v5 =	vld [tilespmem:s1+$0xFFFFFF80]  }
0xea: {  	v7 =	vld [tilespmem:s1+$0xFFFFFF90]  }
0xeb: {  	v10 =	vld [tilespmem:s1+$0xFFFFFFA0]  }
0xec: {  	v13 =	vld [tilespmem:s1+$0xFFFFFFB0]  }
0xed: {  	v6 =	vld [tilespmem:s1+$0xFFFFFFE0]  }
0xee: {  	v8 =	vld [tilespmem:s1+$0xFFFFFFF0]  }
0xef: {  	v14 =	vimm.f32 $0.0e+00;
	v4 =	vld [tilespmem:s1+$0x20]  }
0xf0: {  	v15 =	vadd.f32 v5, v14;
	v16 =	vadd.f32 v7, v14;
	v7 =	vld [tilespmem:s1+$0x30]  }
0xf1: {  	v11 =	vadd.f32 v10, v14;
	v10 =	vadd.f32 v13, v14;
	v5 =	vld [tilespmem:s1+$0x60]  }
0xf2: {  	s0 =	simm.s32 $0x0;
	v13 =	vadd.f32 v9, v15;
	v12 =	vadd.f32 v12, v16;
	v9 =	vld [tilespmem:s1+$0x70];
	s1 =	simm.s32 $0x6580  }
.LBB2_12:
0xf3: {  	v14 =	vld [tilespmem:s1+$0x40];
	v6 =	vadd.f32 v6, v11;
	v8 =	vadd.f32 v8, v10  }
0xf4: {  	v10 =	vld [tilespmem:s1+$0x50];
	v11 =	vadd.f32 v2, v13;
	v12 =	vadd.f32 v3, v12  }
0xf5: {  	v2 =	vld [tilespmem:s1+$0x0];
	v4 =	vadd.f32 v4, v6;
	v6 =	vadd.f32 v7, v8  }
0xf6: {  	v3 =	vld [tilespmem:s1+$0x10];
	v7 =	vadd.f32 v0, v11;
	v11 =	vadd.f32 v1, v12  }
0xf7: {  	v12 =	vld [tilespmem:s1+$0xFFFFFFC0];
	v5 =	vadd.f32 v5, v4;
	v9 =	vadd.f32 v9, v6  }
0xf8: {  	v15 =	vld [tilespmem:s1+$0xFFFFFFD0];
	v0 =	vmov v14  }
0xf9: {  	v13 =	vld [tilespmem:s1+$0xFFFFFF80];
	v1 =	vmov v10  }
0xfa: {  	v10 =	vld [tilespmem:s1+$0xFFFFFF90]  }
0xfb: {  	v14 =	vld [tilespmem:s1+$0xFFFFFFA0]  }
0xfc: {  	s0 =	sadd.s32 $0x4, s0;
	v16 =	vld [tilespmem:s1+$0xFFFFFFB0]  }
0xfd: {  	p0 =	slt.u32 s0, $0xC4;
	v6 =	vld [tilespmem:s1+$0xFFFFFFE0]  }
.Ltmp5:
0xfe: {  	v8 =	vld [tilespmem:s1+$0xFFFFFFF0];
	(pc) =	sbr.rel @p0 .LBB2_12-.Ltmp5, $4  }
0xff: {  	v4 =	vld [tilespmem:s1+$0x20]  }
0x100: {  	v13 =	vadd.f32 v13, v7;
	v17 =	vadd.f32 v10, v11;
	v7 =	vld [tilespmem:s1+$0x30]  }
0x101: {  	v11 =	vadd.f32 v14, v5;
	v10 =	vadd.f32 v16, v9;
	v5 =	vld [tilespmem:s1+$0x60]  }
0x102: {  	v13 =	vadd.f32 v12, v13;
	v12 =	vadd.f32 v15, v17;
	v9 =	vld [tilespmem:s1+$0x70];
	s1 =	sadd.s32 $0x100, s1  }
0x103: {  	_ = 	snop  }
0x104: {  	v6 =	vadd.f32 v6, v11;
	v2 =	vadd.f32 v2, v13  }
0x105: {  	v8 =	vadd.f32 v8, v10;
	v3 =	vadd.f32 v3, v12  }
0x106: {  	v4 =	vadd.f32 v4, v6;
	v0 =	vadd.f32 v0, v2  }
0x107: {  	v2 =	vadd.f32 v7, v8;
	v1 =	vadd.f32 v1, v3  }
0x108: {  	v3 =	vadd.f32 v5, v4;
	[tilespmem:$0x14B00] =	vst v0  }
0x109: {  	v0 =	vadd.f32 v9, v2;
	[tilespmem:$0x14B10] =	vst v1  }
0x10a: {  	[tilespmem:$0x14B20] =	vst v3  }
0x10b: {  	[tilespmem:$0x14B30] =	vst v0  }
0x10c: {  	_ =	swait.ge [sflag:s23], $0x3200  }
0x10d: {  	[sflag:s23] =	ssyncset.done $0x0  }
0x10e: {  	s1 =	simm.s32 $0x9680;
	[sflag:s23] =	ssyncadd.s32 $0xFFFFCE00  }
0x10f: {  	v0 =	vld [tilespmem:s1+$0x40]  }
0x110: {  	v1 =	vld [tilespmem:s1+$0x50]  }
0x111: {  	v2 =	vld [tilespmem:s1+$0x0]  }
0x112: {  	v3 =	vld [tilespmem:s1+$0x10]  }
0x113: {  	v9 =	vld [tilespmem:s1+$0xFFFFFFC0]  }
0x114: {  	v12 =	vld [tilespmem:s1+$0xFFFFFFD0]  }
0x115: {  	v5 =	vld [tilespmem:s1+$0xFFFFFF80]  }
0x116: {  	v7 =	vld [tilespmem:s1+$0xFFFFFF90]  }
0x117: {  	v10 =	vld [tilespmem:s1+$0xFFFFFFA0]  }
0x118: {  	v13 =	vld [tilespmem:s1+$0xFFFFFFB0]  }
0x119: {  	v6 =	vld [tilespmem:s1+$0xFFFFFFE0]  }
0x11a: {  	v8 =	vld [tilespmem:s1+$0xFFFFFFF0]  }
0x11b: {  	v14 =	vimm.f32 $0.0e+00;
	v4 =	vld [tilespmem:s1+$0x20]  }
0x11c: {  	v15 =	vadd.f32 v5, v14;
	v16 =	vadd.f32 v7, v14;
	v7 =	vld [tilespmem:s1+$0x30]  }
0x11d: {  	v11 =	vadd.f32 v10, v14;
	v10 =	vadd.f32 v13, v14;
	v5 =	vld [tilespmem:s1+$0x60]  }
0x11e: {  	s0 =	simm.s32 $0x0;
	v13 =	vadd.f32 v9, v15;
	v12 =	vadd.f32 v12, v16;
	v9 =	vld [tilespmem:s1+$0x70];
	s1 =	simm.s32 $0x9780  }
.LBB2_14:
0x11f: {  	v14 =	vld [tilespmem:s1+$0x40];
	v6 =	vadd.f32 v6, v11;
	v8 =	vadd.f32 v8, v10  }
0x120: {  	v10 =	vld [tilespmem:s1+$0x50];
	v11 =	vadd.f32 v2, v13;
	v12 =	vadd.f32 v3, v12  }
0x121: {  	v2 =	vld [tilespmem:s1+$0x0];
	v4 =	vadd.f32 v4, v6;
	v6 =	vadd.f32 v7, v8  }
0x122: {  	v3 =	vld [tilespmem:s1+$0x10];
	v7 =	vadd.f32 v0, v11;
	v11 =	vadd.f32 v1, v12  }
0x123: {  	v12 =	vld [tilespmem:s1+$0xFFFFFFC0];
	v5 =	vadd.f32 v5, v4;
	v9 =	vadd.f32 v9, v6  }
0x124: {  	v15 =	vld [tilespmem:s1+$0xFFFFFFD0];
	v0 =	vmov v14  }
0x125: {  	v13 =	vld [tilespmem:s1+$0xFFFFFF80];
	v1 =	vmov v10  }
0x126: {  	v10 =	vld [tilespmem:s1+$0xFFFFFF90]  }
0x127: {  	v14 =	vld [tilespmem:s1+$0xFFFFFFA0]  }
0x128: {  	s0 =	sadd.s32 $0x4, s0;
	v16 =	vld [tilespmem:s1+$0xFFFFFFB0]  }
0x129: {  	p0 =	slt.u32 s0, $0xC4;
	v6 =	vld [tilespmem:s1+$0xFFFFFFE0]  }
.Ltmp6:
0x12a: {  	v8 =	vld [tilespmem:s1+$0xFFFFFFF0];
	(pc) =	sbr.rel @p0 .LBB2_14-.Ltmp6, $4  }
0x12b: {  	v4 =	vld [tilespmem:s1+$0x20]  }
0x12c: {  	v13 =	vadd.f32 v13, v7;
	v17 =	vadd.f32 v10, v11;
	v7 =	vld [tilespmem:s1+$0x30]  }
0x12d: {  	v11 =	vadd.f32 v14, v5;
	v10 =	vadd.f32 v16, v9;
	v5 =	vld [tilespmem:s1+$0x60]  }
0x12e: {  	v13 =	vadd.f32 v12, v13;
	v12 =	vadd.f32 v15, v17;
	v9 =	vld [tilespmem:s1+$0x70];
	s1 =	sadd.s32 $0x100, s1  }
0x12f: {  	_ = 	snop  }
0x130: {  	v6 =	vadd.f32 v6, v11;
	v2 =	vadd.f32 v2, v13  }
0x131: {  	v8 =	vadd.f32 v8, v10;
	v3 =	vadd.f32 v3, v12  }
0x132: {  	v4 =	vadd.f32 v4, v6;
	v0 =	vadd.f32 v0, v2  }
0x133: {  	v2 =	vadd.f32 v7, v8;
	v1 =	vadd.f32 v1, v3  }
0x134: {  	v3 =	vadd.f32 v5, v4;
	[tilespmem:$0x14B40] =	vst v0  }
0x135: {  	v0 =	vadd.f32 v9, v2;
	[tilespmem:$0x14B50] =	vst v1  }
0x136: {  	[tilespmem:$0x14B60] =	vst v3  }
0x137: {  	[tilespmem:$0x14B70] =	vst v0  }
0x138: {  	_ =	swait.ge [sflag:s24], $0x3200  }
0x139: {  	[sflag:s24] =	ssyncset.done $0x0  }
0x13a: {  	s1 =	simm.s32 $0xC880;
	[sflag:s24] =	ssyncadd.s32 $0xFFFFCE00  }
0x13b: {  	v0 =	vld [tilespmem:s1+$0x40]  }
0x13c: {  	v1 =	vld [tilespmem:s1+$0x50]  }
0x13d: {  	v2 =	vld [tilespmem:s1+$0x0]  }
0x13e: {  	v3 =	vld [tilespmem:s1+$0x10]  }
0x13f: {  	v9 =	vld [tilespmem:s1+$0xFFFFFFC0]  }
0x140: {  	v12 =	vld [tilespmem:s1+$0xFFFFFFD0]  }
0x141: {  	v5 =	vld [tilespmem:s1+$0xFFFFFF80]  }
0x142: {  	v7 =	vld [tilespmem:s1+$0xFFFFFF90]  }
0x143: {  	v10 =	vld [tilespmem:s1+$0xFFFFFFA0]  }
0x144: {  	v13 =	vld [tilespmem:s1+$0xFFFFFFB0]  }
0x145: {  	v6 =	vld [tilespmem:s1+$0xFFFFFFE0]  }
0x146: {  	v8 =	vld [tilespmem:s1+$0xFFFFFFF0]  }
0x147: {  	v14 =	vimm.f32 $0.0e+00;
	v4 =	vld [tilespmem:s1+$0x20]  }
0x148: {  	v15 =	vadd.f32 v5, v14;
	v16 =	vadd.f32 v7, v14;
	v7 =	vld [tilespmem:s1+$0x30]  }
0x149: {  	v11 =	vadd.f32 v10, v14;
	v10 =	vadd.f32 v13, v14;
	v5 =	vld [tilespmem:s1+$0x60]  }
0x14a: {  	s0 =	simm.s32 $0x0;
	v13 =	vadd.f32 v9, v15;
	v12 =	vadd.f32 v12, v16;
	v9 =	vld [tilespmem:s1+$0x70];
	s1 =	simm.s32 $0xC980  }
.LBB2_16:
0x14b: {  	v14 =	vld [tilespmem:s1+$0x40];
	v6 =	vadd.f32 v6, v11;
	v8 =	vadd.f32 v8, v10  }
0x14c: {  	v10 =	vld [tilespmem:s1+$0x50];
	v11 =	vadd.f32 v2, v13;
	v12 =	vadd.f32 v3, v12  }
0x14d: {  	v2 =	vld [tilespmem:s1+$0x0];
	v4 =	vadd.f32 v4, v6;
	v6 =	vadd.f32 v7, v8  }
0x14e: {  	v3 =	vld [tilespmem:s1+$0x10];
	v7 =	vadd.f32 v0, v11;
	v11 =	vadd.f32 v1, v12  }
0x14f: {  	v12 =	vld [tilespmem:s1+$0xFFFFFFC0];
	v5 =	vadd.f32 v5, v4;
	v9 =	vadd.f32 v9, v6  }
0x150: {  	v15 =	vld [tilespmem:s1+$0xFFFFFFD0];
	v0 =	vmov v14  }
0x151: {  	v13 =	vld [tilespmem:s1+$0xFFFFFF80];
	v1 =	vmov v10  }
0x152: {  	v10 =	vld [tilespmem:s1+$0xFFFFFF90]  }
0x153: {  	v14 =	vld [tilespmem:s1+$0xFFFFFFA0]  }
0x154: {  	s0 =	sadd.s32 $0x4, s0;
	v16 =	vld [tilespmem:s1+$0xFFFFFFB0]  }
0x155: {  	p0 =	slt.u32 s0, $0xC4;
	v6 =	vld [tilespmem:s1+$0xFFFFFFE0]  }
.Ltmp7:
0x156: {  	v8 =	vld [tilespmem:s1+$0xFFFFFFF0];
	(pc) =	sbr.rel @p0 .LBB2_16-.Ltmp7, $4  }
0x157: {  	v4 =	vld [tilespmem:s1+$0x20]  }
0x158: {  	v13 =	vadd.f32 v13, v7;
	v17 =	vadd.f32 v10, v11;
	v7 =	vld [tilespmem:s1+$0x30]  }
0x159: {  	v11 =	vadd.f32 v14, v5;
	v10 =	vadd.f32 v16, v9;
	v5 =	vld [tilespmem:s1+$0x60]  }
0x15a: {  	v13 =	vadd.f32 v12, v13;
	v12 =	vadd.f32 v15, v17;
	v9 =	vld [tilespmem:s1+$0x70];
	s1 =	sadd.s32 $0x100, s1  }
0x15b: {  	_ = 	snop  }
0x15c: {  	v6 =	vadd.f32 v6, v11;
	v2 =	vadd.f32 v2, v13  }
0x15d: {  	v8 =	vadd.f32 v8, v10;
	v3 =	vadd.f32 v3, v12  }
0x15e: {  	v4 =	vadd.f32 v4, v6;
	v0 =	vadd.f32 v0, v2  }
0x15f: {  	v2 =	vadd.f32 v7, v8;
	v1 =	vadd.f32 v1, v3  }
0x160: {  	v3 =	vadd.f32 v5, v4;
	[tilespmem:$0x14B80] =	vst v0  }
0x161: {  	v0 =	vadd.f32 v9, v2;
	[tilespmem:$0x14B90] =	vst v1  }
0x162: {  	[tilespmem:$0x14BA0] =	vst v3  }
0x163: {  	[tilespmem:$0x14BB0] =	vst v0  }
0x164: {  	_ =	swait.ge [sflag:s25], $0x3200  }
0x165: {  	[sflag:s25] =	ssyncset.done $0x0  }
0x166: {  	s1 =	simm.s32 $0xFA80;
	[sflag:s25] =	ssyncadd.s32 $0xFFFFCE00  }
0x167: {  	v0 =	vld [tilespmem:s1+$0x40]  }
0x168: {  	v1 =	vld [tilespmem:s1+$0x50]  }
0x169: {  	v2 =	vld [tilespmem:s1+$0x0]  }
0x16a: {  	v3 =	vld [tilespmem:s1+$0x10]  }
0x16b: {  	v9 =	vld [tilespmem:s1+$0xFFFFFFC0]  }
0x16c: {  	v12 =	vld [tilespmem:s1+$0xFFFFFFD0]  }
0x16d: {  	v5 =	vld [tilespmem:s1+$0xFFFFFF80]  }
0x16e: {  	v7 =	vld [tilespmem:s1+$0xFFFFFF90]  }
0x16f: {  	v10 =	vld [tilespmem:s1+$0xFFFFFFA0]  }
0x170: {  	v13 =	vld [tilespmem:s1+$0xFFFFFFB0]  }
0x171: {  	v6 =	vld [tilespmem:s1+$0xFFFFFFE0]  }
0x172: {  	v8 =	vld [tilespmem:s1+$0xFFFFFFF0]  }
0x173: {  	v14 =	vimm.f32 $0.0e+00;
	v4 =	vld [tilespmem:s1+$0x20]  }
0x174: {  	v15 =	vadd.f32 v5, v14;
	v16 =	vadd.f32 v7, v14;
	v7 =	vld [tilespmem:s1+$0x30]  }
0x175: {  	v11 =	vadd.f32 v10, v14;
	v10 =	vadd.f32 v13, v14;
	v5 =	vld [tilespmem:s1+$0x60]  }
0x176: {  	s0 =	simm.s32 $0x0;
	v13 =	vadd.f32 v9, v15;
	v12 =	vadd.f32 v12, v16;
	v9 =	vld [tilespmem:s1+$0x70];
	s1 =	simm.s32 $0xFB80  }
.LBB2_18:
0x177: {  	v14 =	vld [tilespmem:s1+$0x40];
	v6 =	vadd.f32 v6, v11;
	v8 =	vadd.f32 v8, v10  }
0x178: {  	v10 =	vld [tilespmem:s1+$0x50];
	v11 =	vadd.f32 v2, v13;
	v12 =	vadd.f32 v3, v12  }
0x179: {  	v2 =	vld [tilespmem:s1+$0x0];
	v4 =	vadd.f32 v4, v6;
	v6 =	vadd.f32 v7, v8  }
0x17a: {  	v3 =	vld [tilespmem:s1+$0x10];
	v7 =	vadd.f32 v0, v11;
	v11 =	vadd.f32 v1, v12  }
0x17b: {  	v12 =	vld [tilespmem:s1+$0xFFFFFFC0];
	v5 =	vadd.f32 v5, v4;
	v9 =	vadd.f32 v9, v6  }
0x17c: {  	v15 =	vld [tilespmem:s1+$0xFFFFFFD0];
	v0 =	vmov v14  }
0x17d: {  	v13 =	vld [tilespmem:s1+$0xFFFFFF80];
	v1 =	vmov v10  }
0x17e: {  	v10 =	vld [tilespmem:s1+$0xFFFFFF90]  }
0x17f: {  	v14 =	vld [tilespmem:s1+$0xFFFFFFA0]  }
0x180: {  	s0 =	sadd.s32 $0x4, s0;
	v16 =	vld [tilespmem:s1+$0xFFFFFFB0]  }
0x181: {  	p0 =	slt.u32 s0, $0xC4;
	v6 =	vld [tilespmem:s1+$0xFFFFFFE0]  }
.Ltmp8:
0x182: {  	v8 =	vld [tilespmem:s1+$0xFFFFFFF0];
	(pc) =	sbr.rel @p0 .LBB2_18-.Ltmp8, $4  }
0x183: {  	v4 =	vld [tilespmem:s1+$0x20]  }
0x184: {  	v13 =	vadd.f32 v13, v7;
	v17 =	vadd.f32 v10, v11;
	v7 =	vld [tilespmem:s1+$0x30]  }
0x185: {  	v11 =	vadd.f32 v14, v5;
	v10 =	vadd.f32 v16, v9;
	v5 =	vld [tilespmem:s1+$0x60]  }
0x186: {  	v13 =	vadd.f32 v12, v13;
	v12 =	vadd.f32 v15, v17;
	v9 =	vld [tilespmem:s1+$0x70];
	s1 =	sadd.s32 $0x100, s1  }
0x187: {  	_ = 	snop  }
0x188: {  	v6 =	vadd.f32 v6, v11;
	v2 =	vadd.f32 v2, v13  }
0x189: {  	v8 =	vadd.f32 v8, v10;
	v3 =	vadd.f32 v3, v12  }
0x18a: {  	v4 =	vadd.f32 v4, v6;
	v0 =	vadd.f32 v0, v2  }
0x18b: {  	v61 =	vadd.f32 v7, v8;
	v1 =	vadd.f32 v1, v3  }
0x18c: {  	v62 =	vadd.f32 v5, v4;
	[tilespmem:$0x14BC0] =	vst v0  }
0x18d: {  	s30 =	sadd.s32 $0x1, s30;
	v63 =	vadd.f32 v9, v61;
	[tilespmem:$0x14BD0] =	vst v1  }
0x18e: {  	p0 =	sne.s32 s30, s6;
	[tilespmem:$0x14BE0] =	vst v62  }
.Ltmp9:
0x18f: {  	[tilespmem:$0x14BF0] =	vst v63;
	(pc) =	sbr.rel @p0 .LBB2_1-.Ltmp9, $4  }
0x190: {  	[hbm4b:s5+s2] =	stream.linear.scatter [tilespmem:s29], [sflag:$0x5], $0x2000, $0x38;
	[tilespmem:$0x14C00] =	vst v63  }
0x191: {  	_ =	swait.ge [sflag:s7], $0x2000  }
0x192: {  	[sflag:s7] =	ssyncset.done $0x0  }
0x193: {  	[sflag:s7] =	ssyncadd.s32 $0xFFFFE000  }
0x194: {  	_ =	sfence.sel $0x180000  }
0x195: {  	[bflag:$0x0] =	sbarrier.arrive $0xFFFF  }
0x196: {  	_ =	strace $0x90000047  }
0x197: {  	s0 =	stileid.u32;
	[bflag:$0x2] =	sbarrier.arrive $0xFFFF  }
0x198: {  	p0 =	sne.s32 s0, $0x0;
	s0 =	rddreg [dreg:$0x1]  }
0x199: {  	s0 =	sadd.s32 @!p0 $0x100000, s0  }
0x19a: {  	[sflag:s0] =	ssyncadd.tile.s32 @!p0 $0x1;
	_ =	shalt  }
.Lfunc_end2:
_tile_overlayer_lowered:
.L_overlay_start_2:
0x19b: {  	(tag) =	ssettag $0x2  }
0x19c: {  	s0 =	rddreg [dreg:$0x0];
	s2 =	stileid.u32  }
0x19d: {  	s1 =	rddreg [dreg:$0x1];
	p0 =	sne.s32 s2, $0x0  }
0x19e: {  	s3 =	rddreg [dreg:$0x2];
	[bflag:$0x3] =	sbarrier.arrive $0xFFFF;
	s2 =	simm.s32 @!p0 $0x1C05  }
0x19f: {  	[timem:s3], [sflag:s2] =	dma.local @!p0 [hbm:s0], s1  }
0x1a0: {  	s0 =	simm.s32 @!p0 $0x5  }
0x1a1: {  	_ =	swait.ge @!p0 [sflag:s0], s1  }
0x1a2: {  	s1 =	ssub.s32 @!p0 $0x0, s1;
	[sflag:s0] =	ssyncset.done @!p0 $0x0  }
0x1a3: {  	[sflag:s0] =	ssyncadd.s32 @!p0 s1  }
0x1a4: {  	[bflag:$0x3] =	sbarrier.arrive $0xFFFF  }
0x1a5: {  	_ =	shalt  }

</sc_bundles>
